<compile_context>
chip_gen: v7x
topology: tpu7x:2x2x1
jax: 0.10.2.dev20260603
libtpu: 0.0.44.dev20260713+nightly
codegen_flags: <defaults>
</compile_context>

<pallas_src>
import functools

import jax
import jax.numpy as jnp
from jax import lax
from jax.experimental import pallas as pl
from jax.experimental.pallas import tpu as pltpu
from jax.experimental.pallas import tpu_sc as plsc

Q = 1024
D = 32
N_TRAIN = 100000
N_NEIGH = 5
N_CLASSES = 100
KB = 2048
NKB = 50
KPAD = KB * NKB
RW = 8
BIG_IDX = 2**30


BIG_F = float(2**30)


def _topk_body(qsq_ref, ksq_ref, xq_ref, xt_ref, bv_ref, bi_ref):
    k = pl.program_id(0)

    mm = jnp.dot(xq_ref[...], xt_ref[...], preferred_element_type=jnp.float32)
    d2 = (qsq_ref[...] + ksq_ref[...]) - mm
    dist = jnp.sqrt(jnp.maximum(d2, 0.0))

    gidx = ((k * KB).astype(jnp.float32)
            + lax.broadcasted_iota(jnp.int32, (Q, KB), 1).astype(jnp.float32))

    vals = dist
    bvals, bidx = [], []
    for _ in range(N_NEIGH):
        m = jnp.min(vals, axis=1, keepdims=True)
        am = jnp.min(jnp.where(vals == m, gidx, BIG_F), axis=1,
                     keepdims=True)
        vals = jnp.where(gidx == am, jnp.inf, vals)
        bvals.append(m)
        bidx.append(am)
    bv_ref[0] = jnp.concatenate(
        bvals + [jnp.full((Q, RW - N_NEIGH), jnp.inf, jnp.float32)], axis=1)
    bi_ref[0] = jnp.concatenate(
        bidx + [jnp.full((Q, RW - N_NEIGH), BIG_F, jnp.float32)], axis=1)


def _merge_body(cv_ref, ci_ref, out_ref):
    cv = cv_ref[...]
    ci = ci_ref[...]
    outs = []
    for _ in range(N_NEIGH):
        m = jnp.min(cv, axis=1, keepdims=True)
        am = jnp.min(jnp.where(cv == m, ci, BIG_F), axis=1, keepdims=True)
        cv = jnp.where(ci == am, jnp.inf, cv)
        outs.append(am)
    oi = jnp.concatenate(
        outs + [jnp.zeros((Q, RW - N_NEIGH), jnp.float32)], axis=1)
    out_ref[...] = oi.astype(jnp.int32)


def _tc_topk(qsq, ksq, x_test, xt):
    bv, bi = pl.pallas_call(
        _topk_body,
        grid=(NKB,),
        in_specs=[
            pl.BlockSpec((Q, 1), lambda k: (0, 0)),
            pl.BlockSpec((1, KB), lambda k: (0, k)),
            pl.BlockSpec((Q, D), lambda k: (0, 0)),
            pl.BlockSpec((D, KB), lambda k: (0, k)),
        ],
        out_specs=[
            pl.BlockSpec((1, Q, RW), lambda k: (k, 0, 0)),
            pl.BlockSpec((1, Q, RW), lambda k: (k, 0, 0)),
        ],
        out_shape=[
            jax.ShapeDtypeStruct((NKB, Q, RW), jnp.float32),
            jax.ShapeDtypeStruct((NKB, Q, RW), jnp.float32),
        ],
    )(qsq, ksq, x_test, xt)
    cv = bv.transpose(1, 0, 2).reshape(Q, NKB * RW)
    ci = bi.transpose(1, 0, 2).reshape(Q, NKB * RW)
    return pl.pallas_call(
        _merge_body,
        out_shape=jax.ShapeDtypeStruct((Q, RW), jnp.int32),
    )(cv, ci)


W_OUT = Q // 32


def _sc_gather_mode_body(y_hbm, idx_hbm, out_hbm,
                         i0, i1, i2, i3, i4, l0, l1, l2, l3, l4,
                         out_v, sem):
    c = lax.axis_index("c")
    s = lax.axis_index("s")
    wid = s * 2 + c
    qbase = wid * W_OUT
    idx_bufs = [i0, i1, i2, i3, i4]
    lab_bufs = [l0, l1, l2, l3, l4]
    for j in range(N_NEIGH):
        pltpu.sync_copy(idx_hbm.at[pl.ds(j * Q + qbase, W_OUT)], idx_bufs[j])
    for j in range(N_NEIGH):
        pltpu.async_copy(y_hbm.at[idx_bufs[j]], lab_bufs[j], sem).wait()

    one = jnp.full((16,), 1, jnp.int32)
    zero = jnp.full((16,), 0, jnp.int32)
    for c2 in range(2):
        labs = [lab_bufs[j][pl.ds(c2 * 16, 16)] for j in range(N_NEIGH)]
        best = None
        pred = None
        for j in range(N_NEIGH):
            cnt = zero
            for j2 in range(N_NEIGH):
                cnt = cnt + jnp.where(labs[j] == labs[j2], one, zero)
            score = cnt * (N_CLASSES * 10) - labs[j]
            if j == 0:
                best, pred = score, labs[0]
            else:
                upd = score > best
                pred = jnp.where(upd, labs[j], pred)
                best = jnp.where(upd, score, best)
        out_v[pl.ds(c2 * 16, 16)] = pred
    pltpu.sync_copy(out_v, out_hbm.at[pl.ds(qbase, W_OUT)])


def _sc_gather_mode(y_train, idx_nm):
    mesh = plsc.VectorSubcoreMesh(core_axis_name="c", subcore_axis_name="s")
    f = pl.kernel(
        _sc_gather_mode_body,
        mesh=mesh,
        out_type=jax.ShapeDtypeStruct((Q,), jnp.int32),
        scratch_types=(
            [pltpu.VMEM((W_OUT,), jnp.int32) for _ in range(10)]
            + [pltpu.VMEM((W_OUT,), jnp.int32), pltpu.SemaphoreType.DMA]
        ),
    )
    return f(y_train, idx_nm)


def kernel(X_train, X_test, y_train):
    q_sq = jnp.sum(X_test * X_test, axis=-1, keepdims=True)
    k_sq = jnp.sum(X_train * X_train, axis=-1)
    xq2 = (X_test.astype(jnp.bfloat16) * jnp.bfloat16(2.0))
    xt = jnp.pad(X_train, ((0, KPAD - N_TRAIN), (0, 0))).T.astype(jnp.bfloat16)
    ksq = jnp.pad(k_sq, (0, KPAD - N_TRAIN),
                  constant_values=jnp.inf)[None, :]
    idx = _tc_topk(q_sq, ksq, xq2, xt)
    idx_nm = idx[:, :N_NEIGH].T.reshape(-1)
    return _sc_gather_mode(y_train, idx_nm)

# --- scband reference (transcript-rebuilt; emitter-appended) ---
"""Pipeline reference for scband-knnclassifier-7215545057607 (READ-ONLY COPY).

The authoritative reference and input builder live on the scoring server;
editing this copy changes nothing except your own understanding.
"""

import jax, jax.numpy as jnp
import numpy as np

N_NEIGHBORS = 5
NUM_CLASSES = 100


def setup_inputs(seed: int = 0) -> dict:
    key = jax.random.key(seed)
    k1, k2, k3 = jax.random.split(key, 3)
    X_train = jax.random.normal(k1, (100000, 32), dtype=jnp.float32)
    X_test = jax.random.normal(k2, (1024, 32), dtype=jnp.float32)
    y_train = jax.random.randint(k3, (100000,), 0, NUM_CLASSES, dtype=jnp.int32)
    return {"X_train": X_train, "X_test": X_test, "y_train": y_train}


def _mode_along_last(labels):
    # labels: [Q, k] int. torch.mode returns the most frequent value;
    # ties broken by the smallest value.
    counts = (labels[:, :, None] == labels[:, None, :]).sum(axis=-1)  # [Q, k]
    # score: maximize count, then minimize label value on ties
    score = counts * (NUM_CLASSES * 10) - labels
    j = jnp.argmax(score, axis=1)
    preds = jnp.take_along_axis(labels, j[:, None], axis=1)[:, 0]
    return preds


def reference(X_train, X_test, y_train):
    # torch.cdist(X_test, X_train, p=2) via the Gram-matrix identity
    q_sq = jnp.sum(X_test * X_test, axis=-1, keepdims=True)        # [Q, 1]
    k_sq = jnp.sum(X_train * X_train, axis=-1)[None, :]            # [1, K]
    d2 = q_sq + k_sq - 2.0 * (X_test @ X_train.T)                  # [Q, K]
    dist = jnp.sqrt(jnp.maximum(d2, 0.0))
    # topk smallest distances
    _, indices = jax.lax.top_k(-dist, N_NEIGHBORS)                 # [Q, k]
    nearest_labels = jnp.take(y_train, indices, axis=0)            # [Q, k]
    predictions = _mode_along_last(nearest_labels)
    return predictions

if __name__ == "__main__":
    import jax
    _d = setup_inputs()
    print(jax.jit(kernel)(*tuple(_d.values())))

</pallas_src>

<mosaic_0001>
#map = affine_map<(d0, d1) -> (0)>
module attributes {stable_mosaic.version = 14 : i64} {
  func.func @_sc_gather_mode_body(%arg0: i32, %arg1: i32, %arg2: memref<100000xi32, #tpu.memory_space<hbm>>, %arg3: memref<5120xi32, #tpu.memory_space<hbm>>, %arg4: memref<1024xi32, #tpu.memory_space<hbm>>, %arg5: memref<32xi32, #tpu.memory_space<vmem>>, %arg6: memref<32xi32, #tpu.memory_space<vmem>>, %arg7: memref<32xi32, #tpu.memory_space<vmem>>, %arg8: memref<32xi32, #tpu.memory_space<vmem>>, %arg9: memref<32xi32, #tpu.memory_space<vmem>>, %arg10: memref<32xi32, #tpu.memory_space<vmem>>, %arg11: memref<32xi32, #tpu.memory_space<vmem>>, %arg12: memref<32xi32, #tpu.memory_space<vmem>>, %arg13: memref<32xi32, #tpu.memory_space<vmem>>, %arg14: memref<32xi32, #tpu.memory_space<vmem>>, %arg15: memref<32xi32, #tpu.memory_space<vmem>>, %arg16: memref<!tpu.dma_semaphore, #tpu.memory_space<semaphore_mem>>) attributes {dimension_semantics = [#tpu.dimension_semantics<core_parallel>, #tpu.dimension_semantics<subcore_parallel>], iteration_bounds = array<i64: 2, 16>, scalar_prefetch = 0 : i64, scratch_operands = 12 : i64, tpu.core_type = #tpu.core_type<sc_vector_subcore>, window_params = [{transform_indices = #map}, {transform_indices = #map}, {transform_indices = #map}]} {
    %mul3A = arith.constant 2 : i32
    %mul3A_0 = arith.muli %arg1, %mul3A : i32
    %add3A = arith.addi %mul3A_0, %arg0 : i32
    %mul3A_1 = arith.constant 32 : i32
    %mul3A_2 = arith.muli %add3A, %mul3A_1 : i32
    %add3A_3 = arith.constant 0 : i32
    %add3A_4 = arith.addi %add3A_3, %mul3A_2 : i32
    "tpu.region"() ({
      %run_scoped3A = tpu.sem_alloc : memref<!tpu.dma_semaphore, #tpu.memory_space<semaphore_mem>>
      %dma_start3A_280 = tpu.memref_slice %arg3[%add3A_4] : memref<5120xi32, #tpu.memory_space<hbm>> -> memref<32xi32, #tpu.memory_space<hbm>>
      %dma_start3A_281 = tpu.memref_slice %arg3[%add3A_4] : memref<5120xi32, #tpu.memory_space<hbm>> -> memref<32xi32, #tpu.memory_space<hbm>>
      tpu.enqueue_dma source(%dma_start3A_281 : memref<32xi32, #tpu.memory_space<hbm>>) target(%arg5 : memref<32xi32, #tpu.memory_space<vmem>>) target_semaphore(%run_scoped3A : memref<!tpu.dma_semaphore, #tpu.memory_space<semaphore_mem>>)
      %dma_wait3A_282 = tpu.memref_slice %arg3[%add3A_4] : memref<5120xi32, #tpu.memory_space<hbm>> -> memref<32xi32, #tpu.memory_space<hbm>>
      %dma_wait3A_283 = tpu.memref_slice %arg3[%add3A_4] : memref<5120xi32, #tpu.memory_space<hbm>> -> memref<32xi32, #tpu.memory_space<hbm>>
      tpu.wait_dma2 semaphore(%run_scoped3A : memref<!tpu.dma_semaphore, #tpu.memory_space<semaphore_mem>>) src(%dma_wait3A_283 : memref<32xi32, #tpu.memory_space<hbm>>) dst(%arg5 : memref<32xi32, #tpu.memory_space<vmem>>)
      tpu.yield
    }) : () -> ()
    %add3A_5 = arith.constant 1024 : i32
    %add3A_6 = arith.addi %add3A_5, %mul3A_2 : i32
    "tpu.region"() ({
      %run_scoped3A = tpu.sem_alloc : memref<!tpu.dma_semaphore, #tpu.memory_space<semaphore_mem>>
      %dma_start3A_280 = tpu.memref_slice %arg3[%add3A_6] : memref<5120xi32, #tpu.memory_space<hbm>> -> memref<32xi32, #tpu.memory_space<hbm>>
      %dma_start3A_281 = tpu.memref_slice %arg3[%add3A_6] : memref<5120xi32, #tpu.memory_space<hbm>> -> memref<32xi32, #tpu.memory_space<hbm>>
      tpu.enqueue_dma source(%dma_start3A_281 : memref<32xi32, #tpu.memory_space<hbm>>) target(%arg6 : memref<32xi32, #tpu.memory_space<vmem>>) target_semaphore(%run_scoped3A : memref<!tpu.dma_semaphore, #tpu.memory_space<semaphore_mem>>)
      %dma_wait3A_282 = tpu.memref_slice %arg3[%add3A_6] : memref<5120xi32, #tpu.memory_space<hbm>> -> memref<32xi32, #tpu.memory_space<hbm>>
      %dma_wait3A_283 = tpu.memref_slice %arg3[%add3A_6] : memref<5120xi32, #tpu.memory_space<hbm>> -> memref<32xi32, #tpu.memory_space<hbm>>
      tpu.wait_dma2 semaphore(%run_scoped3A : memref<!tpu.dma_semaphore, #tpu.memory_space<semaphore_mem>>) src(%dma_wait3A_283 : memref<32xi32, #tpu.memory_space<hbm>>) dst(%arg6 : memref<32xi32, #tpu.memory_space<vmem>>)
      tpu.yield
    }) : () -> ()
    %add3A_7 = arith.constant 2048 : i32
    %add3A_8 = arith.addi %add3A_7, %mul3A_2 : i32
    "tpu.region"() ({
      %run_scoped3A = tpu.sem_alloc : memref<!tpu.dma_semaphore, #tpu.memory_space<semaphore_mem>>
      %dma_start3A_280 = tpu.memref_slice %arg3[%add3A_8] : memref<5120xi32, #tpu.memory_space<hbm>> -> memref<32xi32, #tpu.memory_space<hbm>>
      %dma_start3A_281 = tpu.memref_slice %arg3[%add3A_8] : memref<5120xi32, #tpu.memory_space<hbm>> -> memref<32xi32, #tpu.memory_space<hbm>>
      tpu.enqueue_dma source(%dma_start3A_281 : memref<32xi32, #tpu.memory_space<hbm>>) target(%arg7 : memref<32xi32, #tpu.memory_space<vmem>>) target_semaphore(%run_scoped3A : memref<!tpu.dma_semaphore, #tpu.memory_space<semaphore_mem>>)
      %dma_wait3A_282 = tpu.memref_slice %arg3[%add3A_8] : memref<5120xi32, #tpu.memory_space<hbm>> -> memref<32xi32, #tpu.memory_space<hbm>>
      %dma_wait3A_283 = tpu.memref_slice %arg3[%add3A_8] : memref<5120xi32, #tpu.memory_space<hbm>> -> memref<32xi32, #tpu.memory_space<hbm>>
      tpu.wait_dma2 semaphore(%run_scoped3A : memref<!tpu.dma_semaphore, #tpu.memory_space<semaphore_mem>>) src(%dma_wait3A_283 : memref<32xi32, #tpu.memory_space<hbm>>) dst(%arg7 : memref<32xi32, #tpu.memory_space<vmem>>)
      tpu.yield
    }) : () -> ()
    %add3A_9 = arith.constant 3072 : i32
    %add3A_10 = arith.addi %add3A_9, %mul3A_2 : i32
    "tpu.region"() ({
      %run_scoped3A = tpu.sem_alloc : memref<!tpu.dma_semaphore, #tpu.memory_space<semaphore_mem>>
      %dma_start3A_280 = tpu.memref_slice %arg3[%add3A_10] : memref<5120xi32, #tpu.memory_space<hbm>> -> memref<32xi32, #tpu.memory_space<hbm>>
      %dma_start3A_281 = tpu.memref_slice %arg3[%add3A_10] : memref<5120xi32, #tpu.memory_space<hbm>> -> memref<32xi32, #tpu.memory_space<hbm>>
      tpu.enqueue_dma source(%dma_start3A_281 : memref<32xi32, #tpu.memory_space<hbm>>) target(%arg8 : memref<32xi32, #tpu.memory_space<vmem>>) target_semaphore(%run_scoped3A : memref<!tpu.dma_semaphore, #tpu.memory_space<semaphore_mem>>)
      %dma_wait3A_282 = tpu.memref_slice %arg3[%add3A_10] : memref<5120xi32, #tpu.memory_space<hbm>> -> memref<32xi32, #tpu.memory_space<hbm>>
      %dma_wait3A_283 = tpu.memref_slice %arg3[%add3A_10] : memref<5120xi32, #tpu.memory_space<hbm>> -> memref<32xi32, #tpu.memory_space<hbm>>
      tpu.wait_dma2 semaphore(%run_scoped3A : memref<!tpu.dma_semaphore, #tpu.memory_space<semaphore_mem>>) src(%dma_wait3A_283 : memref<32xi32, #tpu.memory_space<hbm>>) dst(%arg8 : memref<32xi32, #tpu.memory_space<vmem>>)
      tpu.yield
    }) : () -> ()
    %add3A_11 = arith.constant 4096 : i32
    %add3A_12 = arith.addi %add3A_11, %mul3A_2 : i32
    "tpu.region"() ({
      %run_scoped3A = tpu.sem_alloc : memref<!tpu.dma_semaphore, #tpu.memory_space<semaphore_mem>>
      %dma_start3A_280 = tpu.memref_slice %arg3[%add3A_12] : memref<5120xi32, #tpu.memory_space<hbm>> -> memref<32xi32, #tpu.memory_space<hbm>>
      %dma_start3A_281 = tpu.memref_slice %arg3[%add3A_12] : memref<5120xi32, #tpu.memory_space<hbm>> -> memref<32xi32, #tpu.memory_space<hbm>>
      tpu.enqueue_dma source(%dma_start3A_281 : memref<32xi32, #tpu.memory_space<hbm>>) target(%arg9 : memref<32xi32, #tpu.memory_space<vmem>>) target_semaphore(%run_scoped3A : memref<!tpu.dma_semaphore, #tpu.memory_space<semaphore_mem>>)
      %dma_wait3A_282 = tpu.memref_slice %arg3[%add3A_12] : memref<5120xi32, #tpu.memory_space<hbm>> -> memref<32xi32, #tpu.memory_space<hbm>>
      %dma_wait3A_283 = tpu.memref_slice %arg3[%add3A_12] : memref<5120xi32, #tpu.memory_space<hbm>> -> memref<32xi32, #tpu.memory_space<hbm>>
      tpu.wait_dma2 semaphore(%run_scoped3A : memref<!tpu.dma_semaphore, #tpu.memory_space<semaphore_mem>>) src(%dma_wait3A_283 : memref<32xi32, #tpu.memory_space<hbm>>) dst(%arg9 : memref<32xi32, #tpu.memory_space<vmem>>)
      tpu.yield
    }) : () -> ()
    %dma_start3A = arith.constant 0 : i32
    %dma_start3A_13 = tpu.memref_slice %arg2[%dma_start3A] : memref<100000xi32, #tpu.memory_space<hbm>> -> memref<100000xi32, #tpu.memory_space<hbm>>
    tpu.enqueue_indirect_dma source(%dma_start3A_13 : memref<100000xi32, #tpu.memory_space<hbm>>) target(%arg10 : memref<32xi32, #tpu.memory_space<vmem>>) offsets(%arg5 : memref<32xi32, #tpu.memory_space<vmem>>) semaphore(%arg16 : memref<!tpu.dma_semaphore, #tpu.memory_space<semaphore_mem>>)
    %dma_wait3A = arith.constant 0 : i32
    %dma_wait3A_14 = tpu.memref_slice %arg2[%dma_wait3A] : memref<100000xi32, #tpu.memory_space<hbm>> -> memref<100000xi32, #tpu.memory_space<hbm>>
    tpu.wait_indirect_dma semaphore(%arg16 : memref<!tpu.dma_semaphore, #tpu.memory_space<semaphore_mem>>) src(%dma_wait3A_14 : memref<100000xi32, #tpu.memory_space<hbm>>) dst(%arg10 : memref<32xi32, #tpu.memory_space<vmem>>)
    %dma_start3A_15 = arith.constant 0 : i32
    %dma_start3A_16 = tpu.memref_slice %arg2[%dma_start3A_15] : memref<100000xi32, #tpu.memory_space<hbm>> -> memref<100000xi32, #tpu.memory_space<hbm>>
    tpu.enqueue_indirect_dma source(%dma_start3A_16 : memref<100000xi32, #tpu.memory_space<hbm>>) target(%arg11 : memref<32xi32, #tpu.memory_space<vmem>>) offsets(%arg6 : memref<32xi32, #tpu.memory_space<vmem>>) semaphore(%arg16 : memref<!tpu.dma_semaphore, #tpu.memory_space<semaphore_mem>>)
    %dma_wait3A_17 = arith.constant 0 : i32
    %dma_wait3A_18 = tpu.memref_slice %arg2[%dma_wait3A_17] : memref<100000xi32, #tpu.memory_space<hbm>> -> memref<100000xi32, #tpu.memory_space<hbm>>
    tpu.wait_indirect_dma semaphore(%arg16 : memref<!tpu.dma_semaphore, #tpu.memory_space<semaphore_mem>>) src(%dma_wait3A_18 : memref<100000xi32, #tpu.memory_space<hbm>>) dst(%arg11 : memref<32xi32, #tpu.memory_space<vmem>>)
    %dma_start3A_19 = arith.constant 0 : i32
    %dma_start3A_20 = tpu.memref_slice %arg2[%dma_start3A_19] : memref<100000xi32, #tpu.memory_space<hbm>> -> memref<100000xi32, #tpu.memory_space<hbm>>
    tpu.enqueue_indirect_dma source(%dma_start3A_20 : memref<100000xi32, #tpu.memory_space<hbm>>) target(%arg12 : memref<32xi32, #tpu.memory_space<vmem>>) offsets(%arg7 : memref<32xi32, #tpu.memory_space<vmem>>) semaphore(%arg16 : memref<!tpu.dma_semaphore, #tpu.memory_space<semaphore_mem>>)
    %dma_wait3A_21 = arith.constant 0 : i32
    %dma_wait3A_22 = tpu.memref_slice %arg2[%dma_wait3A_21] : memref<100000xi32, #tpu.memory_space<hbm>> -> memref<100000xi32, #tpu.memory_space<hbm>>
    tpu.wait_indirect_dma semaphore(%arg16 : memref<!tpu.dma_semaphore, #tpu.memory_space<semaphore_mem>>) src(%dma_wait3A_22 : memref<100000xi32, #tpu.memory_space<hbm>>) dst(%arg12 : memref<32xi32, #tpu.memory_space<vmem>>)
    %dma_start3A_23 = arith.constant 0 : i32
    %dma_start3A_24 = tpu.memref_slice %arg2[%dma_start3A_23] : memref<100000xi32, #tpu.memory_space<hbm>> -> memref<100000xi32, #tpu.memory_space<hbm>>
    tpu.enqueue_indirect_dma source(%dma_start3A_24 : memref<100000xi32, #tpu.memory_space<hbm>>) target(%arg13 : memref<32xi32, #tpu.memory_space<vmem>>) offsets(%arg8 : memref<32xi32, #tpu.memory_space<vmem>>) semaphore(%arg16 : memref<!tpu.dma_semaphore, #tpu.memory_space<semaphore_mem>>)
    %dma_wait3A_25 = arith.constant 0 : i32
    %dma_wait3A_26 = tpu.memref_slice %arg2[%dma_wait3A_25] : memref<100000xi32, #tpu.memory_space<hbm>> -> memref<100000xi32, #tpu.memory_space<hbm>>
    tpu.wait_indirect_dma semaphore(%arg16 : memref<!tpu.dma_semaphore, #tpu.memory_space<semaphore_mem>>) src(%dma_wait3A_26 : memref<100000xi32, #tpu.memory_space<hbm>>) dst(%arg13 : memref<32xi32, #tpu.memory_space<vmem>>)
    %dma_start3A_27 = arith.constant 0 : i32
    %dma_start3A_28 = tpu.memref_slice %arg2[%dma_start3A_27] : memref<100000xi32, #tpu.memory_space<hbm>> -> memref<100000xi32, #tpu.memory_space<hbm>>
    tpu.enqueue_indirect_dma source(%dma_start3A_28 : memref<100000xi32, #tpu.memory_space<hbm>>) target(%arg14 : memref<32xi32, #tpu.memory_space<vmem>>) offsets(%arg9 : memref<32xi32, #tpu.memory_space<vmem>>) semaphore(%arg16 : memref<!tpu.dma_semaphore, #tpu.memory_space<semaphore_mem>>)
    %dma_wait3A_29 = arith.constant 0 : i32
    %dma_wait3A_30 = tpu.memref_slice %arg2[%dma_wait3A_29] : memref<100000xi32, #tpu.memory_space<hbm>> -> memref<100000xi32, #tpu.memory_space<hbm>>
    tpu.wait_indirect_dma semaphore(%arg16 : memref<!tpu.dma_semaphore, #tpu.memory_space<semaphore_mem>>) src(%dma_wait3A_30 : memref<100000xi32, #tpu.memory_space<hbm>>) dst(%arg14 : memref<32xi32, #tpu.memory_space<vmem>>)
    %broadcast_in_dim3A = arith.constant 1 : i32
    %broadcast_in_dim3A_31 = vector.broadcast %broadcast_in_dim3A : i32 to vector<16xi32>
    %broadcast_in_dim3A_32 = arith.constant 0 : i32
    %broadcast_in_dim3A_33 = vector.broadcast %broadcast_in_dim3A_32 : i32 to vector<16xi32>
    %get3A = arith.constant 0 : index
    %get3A_34 = tpu.vector_load %arg10[%get3A] {strides = array<i32>} : memref<32xi32, #tpu.memory_space<vmem>>, vector<16xi32>,
    %get3A_35 = vector.shape_cast %get3A_34 : vector<16xi32> to vector<16xi32>
    %get3A_36 = arith.constant 0 : index
    %get3A_37 = tpu.vector_load %arg11[%get3A_36] {strides = array<i32>} : memref<32xi32, #tpu.memory_space<vmem>>, vector<16xi32>,
    %get3A_38 = vector.shape_cast %get3A_37 : vector<16xi32> to vector<16xi32>
    %get3A_39 = arith.constant 0 : index
    %get3A_40 = tpu.vector_load %arg12[%get3A_39] {strides = array<i32>} : memref<32xi32, #tpu.memory_space<vmem>>, vector<16xi32>,
    %get3A_41 = vector.shape_cast %get3A_40 : vector<16xi32> to vector<16xi32>
    %get3A_42 = arith.constant 0 : index
    %get3A_43 = tpu.vector_load %arg13[%get3A_42] {strides = array<i32>} : memref<32xi32, #tpu.memory_space<vmem>>, vector<16xi32>,
    %get3A_44 = vector.shape_cast %get3A_43 : vector<16xi32> to vector<16xi32>
    %get3A_45 = arith.constant 0 : index
    %get3A_46 = tpu.vector_load %arg14[%get3A_45] {strides = array<i32>} : memref<32xi32, #tpu.memory_space<vmem>>, vector<16xi32>,
    %get3A_47 = vector.shape_cast %get3A_46 : vector<16xi32> to vector<16xi32>
    %eq3A = arith.cmpi eq, %get3A_35, %get3A_35 : vector<16xi32>
    %select_n3A = arith.select %eq3A, %broadcast_in_dim3A_31, %broadcast_in_dim3A_33 : vector<16xi1>, vector<16xi32>
    %add3A_48 = arith.addi %broadcast_in_dim3A_33, %select_n3A : vector<16xi32>
    %eq3A_49 = arith.cmpi eq, %get3A_35, %get3A_38 : vector<16xi32>
    %select_n3A_50 = arith.select %eq3A_49, %broadcast_in_dim3A_31, %broadcast_in_dim3A_33 : vector<16xi1>, vector<16xi32>
    %add3A_51 = arith.addi %add3A_48, %select_n3A_50 : vector<16xi32>
    %eq3A_52 = arith.cmpi eq, %get3A_35, %get3A_41 : vector<16xi32>
    %select_n3A_53 = arith.select %eq3A_52, %broadcast_in_dim3A_31, %broadcast_in_dim3A_33 : vector<16xi1>, vector<16xi32>
    %add3A_54 = arith.addi %add3A_51, %select_n3A_53 : vector<16xi32>
    %eq3A_55 = arith.cmpi eq, %get3A_35, %get3A_44 : vector<16xi32>
    %select_n3A_56 = arith.select %eq3A_55, %broadcast_in_dim3A_31, %broadcast_in_dim3A_33 : vector<16xi1>, vector<16xi32>
    %add3A_57 = arith.addi %add3A_54, %select_n3A_56 : vector<16xi32>
    %eq3A_58 = arith.cmpi eq, %get3A_35, %get3A_47 : vector<16xi32>
    %select_n3A_59 = arith.select %eq3A_58, %broadcast_in_dim3A_31, %broadcast_in_dim3A_33 : vector<16xi1>, vector<16xi32>
    %add3A_60 = arith.addi %add3A_57, %select_n3A_59 : vector<16xi32>
    %mul3A_61 = arith.constant 1000 : i32
    %mul3A_62 = vector.broadcast %mul3A_61 : i32 to vector<16xi32>
    %mul3A_63 = arith.muli %add3A_60, %mul3A_62 : vector<16xi32>
    %sub3A = arith.subi %mul3A_63, %get3A_35 : vector<16xi32>
    %eq3A_64 = arith.cmpi eq, %get3A_38, %get3A_35 : vector<16xi32>
    %select_n3A_65 = arith.select %eq3A_64, %broadcast_in_dim3A_31, %broadcast_in_dim3A_33 : vector<16xi1>, vector<16xi32>
    %add3A_66 = arith.addi %broadcast_in_dim3A_33, %select_n3A_65 : vector<16xi32>
    %eq3A_67 = arith.cmpi eq, %get3A_38, %get3A_38 : vector<16xi32>
    %select_n3A_68 = arith.select %eq3A_67, %broadcast_in_dim3A_31, %broadcast_in_dim3A_33 : vector<16xi1>, vector<16xi32>
    %add3A_69 = arith.addi %add3A_66, %select_n3A_68 : vector<16xi32>
    %eq3A_70 = arith.cmpi eq, %get3A_38, %get3A_41 : vector<16xi32>
    %select_n3A_71 = arith.select %eq3A_70, %broadcast_in_dim3A_31, %broadcast_in_dim3A_33 : vector<16xi1>, vector<16xi32>
    %add3A_72 = arith.addi %add3A_69, %select_n3A_71 : vector<16xi32>
    %eq3A_73 = arith.cmpi eq, %get3A_38, %get3A_44 : vector<16xi32>
    %select_n3A_74 = arith.select %eq3A_73, %broadcast_in_dim3A_31, %broadcast_in_dim3A_33 : vector<16xi1>, vector<16xi32>
    %add3A_75 = arith.addi %add3A_72, %select_n3A_74 : vector<16xi32>
    %eq3A_76 = arith.cmpi eq, %get3A_38, %get3A_47 : vector<16xi32>
    %select_n3A_77 = arith.select %eq3A_76, %broadcast_in_dim3A_31, %broadcast_in_dim3A_33 : vector<16xi1>, vector<16xi32>
    %add3A_78 = arith.addi %add3A_75, %select_n3A_77 : vector<16xi32>
    %mul3A_79 = arith.constant 1000 : i32
    %mul3A_80 = vector.broadcast %mul3A_79 : i32 to vector<16xi32>
    %mul3A_81 = arith.muli %add3A_78, %mul3A_80 : vector<16xi32>
    %sub3A_82 = arith.subi %mul3A_81, %get3A_38 : vector<16xi32>
    %gt3A = arith.cmpi sgt, %sub3A_82, %sub3A : vector<16xi32>
    %select_n3A_83 = arith.select %gt3A, %get3A_38, %get3A_35 : vector<16xi1>, vector<16xi32>
    %select_n3A_84 = arith.select %gt3A, %sub3A_82, %sub3A : vector<16xi1>, vector<16xi32>
    %eq3A_85 = arith.cmpi eq, %get3A_41, %get3A_35 : vector<16xi32>
    %select_n3A_86 = arith.select %eq3A_85, %broadcast_in_dim3A_31, %broadcast_in_dim3A_33 : vector<16xi1>, vector<16xi32>
    %add3A_87 = arith.addi %broadcast_in_dim3A_33, %select_n3A_86 : vector<16xi32>
    %eq3A_88 = arith.cmpi eq, %get3A_41, %get3A_38 : vector<16xi32>
    %select_n3A_89 = arith.select %eq3A_88, %broadcast_in_dim3A_31, %broadcast_in_dim3A_33 : vector<16xi1>, vector<16xi32>
    %add3A_90 = arith.addi %add3A_87, %select_n3A_89 : vector<16xi32>
    %eq3A_91 = arith.cmpi eq, %get3A_41, %get3A_41 : vector<16xi32>
    %select_n3A_92 = arith.select %eq3A_91, %broadcast_in_dim3A_31, %broadcast_in_dim3A_33 : vector<16xi1>, vector<16xi32>
    %add3A_93 = arith.addi %add3A_90, %select_n3A_92 : vector<16xi32>
    %eq3A_94 = arith.cmpi eq, %get3A_41, %get3A_44 : vector<16xi32>
    %select_n3A_95 = arith.select %eq3A_94, %broadcast_in_dim3A_31, %broadcast_in_dim3A_33 : vector<16xi1>, vector<16xi32>
    %add3A_96 = arith.addi %add3A_93, %select_n3A_95 : vector<16xi32>
    %eq3A_97 = arith.cmpi eq, %get3A_41, %get3A_47 : vector<16xi32>
    %select_n3A_98 = arith.select %eq3A_97, %broadcast_in_dim3A_31, %broadcast_in_dim3A_33 : vector<16xi1>, vector<16xi32>
    %add3A_99 = arith.addi %add3A_96, %select_n3A_98 : vector<16xi32>
    %mul3A_100 = arith.constant 1000 : i32
    %mul3A_101 = vector.broadcast %mul3A_100 : i32 to vector<16xi32>
    %mul3A_102 = arith.muli %add3A_99, %mul3A_101 : vector<16xi32>
    %sub3A_103 = arith.subi %mul3A_102, %get3A_41 : vector<16xi32>
    %gt3A_104 = arith.cmpi sgt, %sub3A_103, %select_n3A_84 : vector<16xi32>
    %select_n3A_105 = arith.select %gt3A_104, %get3A_41, %select_n3A_83 : vector<16xi1>, vector<16xi32>
    %select_n3A_106 = arith.select %gt3A_104, %sub3A_103, %select_n3A_84 : vector<16xi1>, vector<16xi32>
    %eq3A_107 = arith.cmpi eq, %get3A_44, %get3A_35 : vector<16xi32>
    %select_n3A_108 = arith.select %eq3A_107, %broadcast_in_dim3A_31, %broadcast_in_dim3A_33 : vector<16xi1>, vector<16xi32>
    %add3A_109 = arith.addi %broadcast_in_dim3A_33, %select_n3A_108 : vector<16xi32>
    %eq3A_110 = arith.cmpi eq, %get3A_44, %get3A_38 : vector<16xi32>
    %select_n3A_111 = arith.select %eq3A_110, %broadcast_in_dim3A_31, %broadcast_in_dim3A_33 : vector<16xi1>, vector<16xi32>
    %add3A_112 = arith.addi %add3A_109, %select_n3A_111 : vector<16xi32>
    %eq3A_113 = arith.cmpi eq, %get3A_44, %get3A_41 : vector<16xi32>
    %select_n3A_114 = arith.select %eq3A_113, %broadcast_in_dim3A_31, %broadcast_in_dim3A_33 : vector<16xi1>, vector<16xi32>
    %add3A_115 = arith.addi %add3A_112, %select_n3A_114 : vector<16xi32>
    %eq3A_116 = arith.cmpi eq, %get3A_44, %get3A_44 : vector<16xi32>
    %select_n3A_117 = arith.select %eq3A_116, %broadcast_in_dim3A_31, %broadcast_in_dim3A_33 : vector<16xi1>, vector<16xi32>
    %add3A_118 = arith.addi %add3A_115, %select_n3A_117 : vector<16xi32>
    %eq3A_119 = arith.cmpi eq, %get3A_44, %get3A_47 : vector<16xi32>
    %select_n3A_120 = arith.select %eq3A_119, %broadcast_in_dim3A_31, %broadcast_in_dim3A_33 : vector<16xi1>, vector<16xi32>
    %add3A_121 = arith.addi %add3A_118, %select_n3A_120 : vector<16xi32>
    %mul3A_122 = arith.constant 1000 : i32
    %mul3A_123 = vector.broadcast %mul3A_122 : i32 to vector<16xi32>
    %mul3A_124 = arith.muli %add3A_121, %mul3A_123 : vector<16xi32>
    %sub3A_125 = arith.subi %mul3A_124, %get3A_44 : vector<16xi32>
    %gt3A_126 = arith.cmpi sgt, %sub3A_125, %select_n3A_106 : vector<16xi32>
    %select_n3A_127 = arith.select %gt3A_126, %get3A_44, %select_n3A_105 : vector<16xi1>, vector<16xi32>
    %select_n3A_128 = arith.select %gt3A_126, %sub3A_125, %select_n3A_106 : vector<16xi1>, vector<16xi32>
    %eq3A_129 = arith.cmpi eq, %get3A_47, %get3A_35 : vector<16xi32>
    %select_n3A_130 = arith.select %eq3A_129, %broadcast_in_dim3A_31, %broadcast_in_dim3A_33 : vector<16xi1>, vector<16xi32>
    %add3A_131 = arith.addi %broadcast_in_dim3A_33, %select_n3A_130 : vector<16xi32>
    %eq3A_132 = arith.cmpi eq, %get3A_47, %get3A_38 : vector<16xi32>
    %select_n3A_133 = arith.select %eq3A_132, %broadcast_in_dim3A_31, %broadcast_in_dim3A_33 : vector<16xi1>, vector<16xi32>
    %add3A_134 = arith.addi %add3A_131, %select_n3A_133 : vector<16xi32>
    %eq3A_135 = arith.cmpi eq, %get3A_47, %get3A_41 : vector<16xi32>
    %select_n3A_136 = arith.select %eq3A_135, %broadcast_in_dim3A_31, %broadcast_in_dim3A_33 : vector<16xi1>, vector<16xi32>
    %add3A_137 = arith.addi %add3A_134, %select_n3A_136 : vector<16xi32>
    %eq3A_138 = arith.cmpi eq, %get3A_47, %get3A_44 : vector<16xi32>
    %select_n3A_139 = arith.select %eq3A_138, %broadcast_in_dim3A_31, %broadcast_in_dim3A_33 : vector<16xi1>, vector<16xi32>
    %add3A_140 = arith.addi %add3A_137, %select_n3A_139 : vector<16xi32>
    %eq3A_141 = arith.cmpi eq, %get3A_47, %get3A_47 : vector<16xi32>
    %select_n3A_142 = arith.select %eq3A_141, %broadcast_in_dim3A_31, %broadcast_in_dim3A_33 : vector<16xi1>, vector<16xi32>
    %add3A_143 = arith.addi %add3A_140, %select_n3A_142 : vector<16xi32>
    %mul3A_144 = arith.constant 1000 : i32
    %mul3A_145 = vector.broadcast %mul3A_144 : i32 to vector<16xi32>
    %mul3A_146 = arith.muli %add3A_143, %mul3A_145 : vector<16xi32>
    %sub3A_147 = arith.subi %mul3A_146, %get3A_47 : vector<16xi32>
    %gt3A_148 = arith.cmpi sgt, %sub3A_147, %select_n3A_128 : vector<16xi32>
    %select_n3A_149 = arith.select %gt3A_148, %get3A_47, %select_n3A_127 : vector<16xi1>, vector<16xi32>
    %select_n3A_150 = arith.select %gt3A_148, %sub3A_147, %select_n3A_128 : vector<16xi1>, vector<16xi32>
    %swap3A = arith.constant 0 : index
    %swap3A_151 = tpu.vector_load %arg15[%swap3A] {strides = array<i32>} : memref<32xi32, #tpu.memory_space<vmem>>, vector<16xi32>,
    %swap3A_152 = vector.shape_cast %swap3A_151 : vector<16xi32> to vector<16xi32>
    %swap3A_153 = vector.shape_cast %select_n3A_149 : vector<16xi32> to vector<16xi32>
    tpu.vector_store %arg15[%swap3A], %swap3A_153 {strides = array<i32>} : memref<32xi32, #tpu.memory_space<vmem>>, vector<16xi32>,
    %get3A_154 = arith.constant 16 : index
    %get3A_155 = tpu.vector_load %arg10[%get3A_154] {strides = array<i32>} : memref<32xi32, #tpu.memory_space<vmem>>, vector<16xi32>,
    %get3A_156 = vector.shape_cast %get3A_155 : vector<16xi32> to vector<16xi32>
    %get3A_157 = arith.constant 16 : index
    %get3A_158 = tpu.vector_load %arg11[%get3A_157] {strides = array<i32>} : memref<32xi32, #tpu.memory_space<vmem>>, vector<16xi32>,
    %get3A_159 = vector.shape_cast %get3A_158 : vector<16xi32> to vector<16xi32>
    %get3A_160 = arith.constant 16 : index
    %get3A_161 = tpu.vector_load %arg12[%get3A_160] {strides = array<i32>} : memref<32xi32, #tpu.memory_space<vmem>>, vector<16xi32>,
    %get3A_162 = vector.shape_cast %get3A_161 : vector<16xi32> to vector<16xi32>
    %get3A_163 = arith.constant 16 : index
    %get3A_164 = tpu.vector_load %arg13[%get3A_163] {strides = array<i32>} : memref<32xi32, #tpu.memory_space<vmem>>, vector<16xi32>,
    %get3A_165 = vector.shape_cast %get3A_164 : vector<16xi32> to vector<16xi32>
    %get3A_166 = arith.constant 16 : index
    %get3A_167 = tpu.vector_load %arg14[%get3A_166] {strides = array<i32>} : memref<32xi32, #tpu.memory_space<vmem>>, vector<16xi32>,
    %get3A_168 = vector.shape_cast %get3A_167 : vector<16xi32> to vector<16xi32>
    %eq3A_169 = arith.cmpi eq, %get3A_156, %get3A_156 : vector<16xi32>
    %select_n3A_170 = arith.select %eq3A_169, %broadcast_in_dim3A_31, %broadcast_in_dim3A_33 : vector<16xi1>, vector<16xi32>
    %add3A_171 = arith.addi %broadcast_in_dim3A_33, %select_n3A_170 : vector<16xi32>
    %eq3A_172 = arith.cmpi eq, %get3A_156, %get3A_159 : vector<16xi32>
    %select_n3A_173 = arith.select %eq3A_172, %broadcast_in_dim3A_31, %broadcast_in_dim3A_33 : vector<16xi1>, vector<16xi32>
    %add3A_174 = arith.addi %add3A_171, %select_n3A_173 : vector<16xi32>
    %eq3A_175 = arith.cmpi eq, %get3A_156, %get3A_162 : vector<16xi32>
    %select_n3A_176 = arith.select %eq3A_175, %broadcast_in_dim3A_31, %broadcast_in_dim3A_33 : vector<16xi1>, vector<16xi32>
    %add3A_177 = arith.addi %add3A_174, %select_n3A_176 : vector<16xi32>
    %eq3A_178 = arith.cmpi eq, %get3A_156, %get3A_165 : vector<16xi32>
    %select_n3A_179 = arith.select %eq3A_178, %broadcast_in_dim3A_31, %broadcast_in_dim3A_33 : vector<16xi1>, vector<16xi32>
    %add3A_180 = arith.addi %add3A_177, %select_n3A_179 : vector<16xi32>
    %eq3A_181 = arith.cmpi eq, %get3A_156, %get3A_168 : vector<16xi32>
    %select_n3A_182 = arith.select %eq3A_181, %broadcast_in_dim3A_31, %broadcast_in_dim3A_33 : vector<16xi1>, vector<16xi32>
    %add3A_183 = arith.addi %add3A_180, %select_n3A_182 : vector<16xi32>
    %mul3A_184 = arith.constant 1000 : i32
    %mul3A_185 = vector.broadcast %mul3A_184 : i32 to vector<16xi32>
    %mul3A_186 = arith.muli %add3A_183, %mul3A_185 : vector<16xi32>
    %sub3A_187 = arith.subi %mul3A_186, %get3A_156 : vector<16xi32>
    %eq3A_188 = arith.cmpi eq, %get3A_159, %get3A_156 : vector<16xi32>
    %select_n3A_189 = arith.select %eq3A_188, %broadcast_in_dim3A_31, %broadcast_in_dim3A_33 : vector<16xi1>, vector<16xi32>
    %add3A_190 = arith.addi %broadcast_in_dim3A_33, %select_n3A_189 : vector<16xi32>
    %eq3A_191 = arith.cmpi eq, %get3A_159, %get3A_159 : vector<16xi32>
    %select_n3A_192 = arith.select %eq3A_191, %broadcast_in_dim3A_31, %broadcast_in_dim3A_33 : vector<16xi1>, vector<16xi32>
    %add3A_193 = arith.addi %add3A_190, %select_n3A_192 : vector<16xi32>
    %eq3A_194 = arith.cmpi eq, %get3A_159, %get3A_162 : vector<16xi32>
    %select_n3A_195 = arith.select %eq3A_194, %broadcast_in_dim3A_31, %broadcast_in_dim3A_33 : vector<16xi1>, vector<16xi32>
    %add3A_196 = arith.addi %add3A_193, %select_n3A_195 : vector<16xi32>
    %eq3A_197 = arith.cmpi eq, %get3A_159, %get3A_165 : vector<16xi32>
    %select_n3A_198 = arith.select %eq3A_197, %broadcast_in_dim3A_31, %broadcast_in_dim3A_33 : vector<16xi1>, vector<16xi32>
    %add3A_199 = arith.addi %add3A_196, %select_n3A_198 : vector<16xi32>
    %eq3A_200 = arith.cmpi eq, %get3A_159, %get3A_168 : vector<16xi32>
    %select_n3A_201 = arith.select %eq3A_200, %broadcast_in_dim3A_31, %broadcast_in_dim3A_33 : vector<16xi1>, vector<16xi32>
    %add3A_202 = arith.addi %add3A_199, %select_n3A_201 : vector<16xi32>
    %mul3A_203 = arith.constant 1000 : i32
    %mul3A_204 = vector.broadcast %mul3A_203 : i32 to vector<16xi32>
    %mul3A_205 = arith.muli %add3A_202, %mul3A_204 : vector<16xi32>
    %sub3A_206 = arith.subi %mul3A_205, %get3A_159 : vector<16xi32>
    %gt3A_207 = arith.cmpi sgt, %sub3A_206, %sub3A_187 : vector<16xi32>
    %select_n3A_208 = arith.select %gt3A_207, %get3A_159, %get3A_156 : vector<16xi1>, vector<16xi32>
    %select_n3A_209 = arith.select %gt3A_207, %sub3A_206, %sub3A_187 : vector<16xi1>, vector<16xi32>
    %eq3A_210 = arith.cmpi eq, %get3A_162, %get3A_156 : vector<16xi32>
    %select_n3A_211 = arith.select %eq3A_210, %broadcast_in_dim3A_31, %broadcast_in_dim3A_33 : vector<16xi1>, vector<16xi32>
    %add3A_212 = arith.addi %broadcast_in_dim3A_33, %select_n3A_211 : vector<16xi32>
    %eq3A_213 = arith.cmpi eq, %get3A_162, %get3A_159 : vector<16xi32>
    %select_n3A_214 = arith.select %eq3A_213, %broadcast_in_dim3A_31, %broadcast_in_dim3A_33 : vector<16xi1>, vector<16xi32>
    %add3A_215 = arith.addi %add3A_212, %select_n3A_214 : vector<16xi32>
    %eq3A_216 = arith.cmpi eq, %get3A_162, %get3A_162 : vector<16xi32>
    %select_n3A_217 = arith.select %eq3A_216, %broadcast_in_dim3A_31, %broadcast_in_dim3A_33 : vector<16xi1>, vector<16xi32>
    %add3A_218 = arith.addi %add3A_215, %select_n3A_217 : vector<16xi32>
    %eq3A_219 = arith.cmpi eq, %get3A_162, %get3A_165 : vector<16xi32>
    %select_n3A_220 = arith.select %eq3A_219, %broadcast_in_dim3A_31, %broadcast_in_dim3A_33 : vector<16xi1>, vector<16xi32>
    %add3A_221 = arith.addi %add3A_218, %select_n3A_220 : vector<16xi32>
    %eq3A_222 = arith.cmpi eq, %get3A_162, %get3A_168 : vector<16xi32>
    %select_n3A_223 = arith.select %eq3A_222, %broadcast_in_dim3A_31, %broadcast_in_dim3A_33 : vector<16xi1>, vector<16xi32>
    %add3A_224 = arith.addi %add3A_221, %select_n3A_223 : vector<16xi32>
    %mul3A_225 = arith.constant 1000 : i32
    %mul3A_226 = vector.broadcast %mul3A_225 : i32 to vector<16xi32>
    %mul3A_227 = arith.muli %add3A_224, %mul3A_226 : vector<16xi32>
    %sub3A_228 = arith.subi %mul3A_227, %get3A_162 : vector<16xi32>
    %gt3A_229 = arith.cmpi sgt, %sub3A_228, %select_n3A_209 : vector<16xi32>
    %select_n3A_230 = arith.select %gt3A_229, %get3A_162, %select_n3A_208 : vector<16xi1>, vector<16xi32>
    %select_n3A_231 = arith.select %gt3A_229, %sub3A_228, %select_n3A_209 : vector<16xi1>, vector<16xi32>
    %eq3A_232 = arith.cmpi eq, %get3A_165, %get3A_156 : vector<16xi32>
    %select_n3A_233 = arith.select %eq3A_232, %broadcast_in_dim3A_31, %broadcast_in_dim3A_33 : vector<16xi1>, vector<16xi32>
    %add3A_234 = arith.addi %broadcast_in_dim3A_33, %select_n3A_233 : vector<16xi32>
    %eq3A_235 = arith.cmpi eq, %get3A_165, %get3A_159 : vector<16xi32>
    %select_n3A_236 = arith.select %eq3A_235, %broadcast_in_dim3A_31, %broadcast_in_dim3A_33 : vector<16xi1>, vector<16xi32>
    %add3A_237 = arith.addi %add3A_234, %select_n3A_236 : vector<16xi32>
    %eq3A_238 = arith.cmpi eq, %get3A_165, %get3A_162 : vector<16xi32>
    %select_n3A_239 = arith.select %eq3A_238, %broadcast_in_dim3A_31, %broadcast_in_dim3A_33 : vector<16xi1>, vector<16xi32>
    %add3A_240 = arith.addi %add3A_237, %select_n3A_239 : vector<16xi32>
    %eq3A_241 = arith.cmpi eq, %get3A_165, %get3A_165 : vector<16xi32>
    %select_n3A_242 = arith.select %eq3A_241, %broadcast_in_dim3A_31, %broadcast_in_dim3A_33 : vector<16xi1>, vector<16xi32>
    %add3A_243 = arith.addi %add3A_240, %select_n3A_242 : vector<16xi32>
    %eq3A_244 = arith.cmpi eq, %get3A_165, %get3A_168 : vector<16xi32>
    %select_n3A_245 = arith.select %eq3A_244, %broadcast_in_dim3A_31, %broadcast_in_dim3A_33 : vector<16xi1>, vector<16xi32>
    %add3A_246 = arith.addi %add3A_243, %select_n3A_245 : vector<16xi32>
    %mul3A_247 = arith.constant 1000 : i32
    %mul3A_248 = vector.broadcast %mul3A_247 : i32 to vector<16xi32>
    %mul3A_249 = arith.muli %add3A_246, %mul3A_248 : vector<16xi32>
    %sub3A_250 = arith.subi %mul3A_249, %get3A_165 : vector<16xi32>
    %gt3A_251 = arith.cmpi sgt, %sub3A_250, %select_n3A_231 : vector<16xi32>
    %select_n3A_252 = arith.select %gt3A_251, %get3A_165, %select_n3A_230 : vector<16xi1>, vector<16xi32>
    %select_n3A_253 = arith.select %gt3A_251, %sub3A_250, %select_n3A_231 : vector<16xi1>, vector<16xi32>
    %eq3A_254 = arith.cmpi eq, %get3A_168, %get3A_156 : vector<16xi32>
    %select_n3A_255 = arith.select %eq3A_254, %broadcast_in_dim3A_31, %broadcast_in_dim3A_33 : vector<16xi1>, vector<16xi32>
    %add3A_256 = arith.addi %broadcast_in_dim3A_33, %select_n3A_255 : vector<16xi32>
    %eq3A_257 = arith.cmpi eq, %get3A_168, %get3A_159 : vector<16xi32>
    %select_n3A_258 = arith.select %eq3A_257, %broadcast_in_dim3A_31, %broadcast_in_dim3A_33 : vector<16xi1>, vector<16xi32>
    %add3A_259 = arith.addi %add3A_256, %select_n3A_258 : vector<16xi32>
    %eq3A_260 = arith.cmpi eq, %get3A_168, %get3A_162 : vector<16xi32>
    %select_n3A_261 = arith.select %eq3A_260, %broadcast_in_dim3A_31, %broadcast_in_dim3A_33 : vector<16xi1>, vector<16xi32>
    %add3A_262 = arith.addi %add3A_259, %select_n3A_261 : vector<16xi32>
    %eq3A_263 = arith.cmpi eq, %get3A_168, %get3A_165 : vector<16xi32>
    %select_n3A_264 = arith.select %eq3A_263, %broadcast_in_dim3A_31, %broadcast_in_dim3A_33 : vector<16xi1>, vector<16xi32>
    %add3A_265 = arith.addi %add3A_262, %select_n3A_264 : vector<16xi32>
    %eq3A_266 = arith.cmpi eq, %get3A_168, %get3A_168 : vector<16xi32>
    %select_n3A_267 = arith.select %eq3A_266, %broadcast_in_dim3A_31, %broadcast_in_dim3A_33 : vector<16xi1>, vector<16xi32>
    %add3A_268 = arith.addi %add3A_265, %select_n3A_267 : vector<16xi32>
    %mul3A_269 = arith.constant 1000 : i32
    %mul3A_270 = vector.broadcast %mul3A_269 : i32 to vector<16xi32>
    %mul3A_271 = arith.muli %add3A_268, %mul3A_270 : vector<16xi32>
    %sub3A_272 = arith.subi %mul3A_271, %get3A_168 : vector<16xi32>
    %gt3A_273 = arith.cmpi sgt, %sub3A_272, %select_n3A_253 : vector<16xi32>
    %select_n3A_274 = arith.select %gt3A_273, %get3A_168, %select_n3A_252 : vector<16xi1>, vector<16xi32>
    %select_n3A_275 = arith.select %gt3A_273, %sub3A_272, %select_n3A_253 : vector<16xi1>, vector<16xi32>
    %swap3A_276 = arith.constant 16 : index
    %swap3A_277 = tpu.vector_load %arg15[%swap3A_276] {strides = array<i32>} : memref<32xi32, #tpu.memory_space<vmem>>, vector<16xi32>,
    %swap3A_278 = vector.shape_cast %swap3A_277 : vector<16xi32> to vector<16xi32>
    %swap3A_279 = vector.shape_cast %select_n3A_274 : vector<16xi32> to vector<16xi32>
    tpu.vector_store %arg15[%swap3A_276], %swap3A_279 {strides = array<i32>} : memref<32xi32, #tpu.memory_space<vmem>>, vector<16xi32>,
    "tpu.region"() ({
      %run_scoped3A = tpu.sem_alloc : memref<!tpu.dma_semaphore, #tpu.memory_space<semaphore_mem>>
      %dma_start3A_280 = tpu.memref_slice %arg4[%mul3A_2] : memref<1024xi32, #tpu.memory_space<hbm>> -> memref<32xi32, #tpu.memory_space<hbm>>
      %dma_start3A_281 = tpu.memref_slice %arg4[%mul3A_2] : memref<1024xi32, #tpu.memory_space<hbm>> -> memref<32xi32, #tpu.memory_space<hbm>>
      tpu.enqueue_dma source(%arg15 : memref<32xi32, #tpu.memory_space<vmem>>) target(%dma_start3A_281 : memref<32xi32, #tpu.memory_space<hbm>>) target_semaphore(%run_scoped3A : memref<!tpu.dma_semaphore, #tpu.memory_space<semaphore_mem>>)
      %dma_wait3A_282 = tpu.memref_slice %arg4[%mul3A_2] : memref<1024xi32, #tpu.memory_space<hbm>> -> memref<32xi32, #tpu.memory_space<hbm>>
      %dma_wait3A_283 = tpu.memref_slice %arg4[%mul3A_2] : memref<1024xi32, #tpu.memory_space<hbm>> -> memref<32xi32, #tpu.memory_space<hbm>>
      tpu.wait_dma2 semaphore(%run_scoped3A : memref<!tpu.dma_semaphore, #tpu.memory_space<semaphore_mem>>) src(%arg15 : memref<32xi32, #tpu.memory_space<vmem>>) dst(%dma_wait3A_283 : memref<32xi32, #tpu.memory_space<hbm>>)
      tpu.yield
    }) : () -> ()
    return
  }
}

module attributes {stable_mosaic.version = 14 : i64} {
  func.func @_topk_body(%arg0: i32, %arg1: memref<1024x1xf32, #tpu.memory_space<vmem>>, %arg2: memref<1x2048xf32, #tpu.memory_space<vmem>>, %arg3: memref<1024x32xbf16, #tpu.memory_space<vmem>>, %arg4: memref<32x2048xbf16, #tpu.memory_space<vmem>>, %arg5: memref<1x1024x8xf32, #tpu.memory_space<vmem>>, %arg6: memref<1x1024x8xf32, #tpu.memory_space<vmem>>) attributes {dimension_semantics = [#tpu.dimension_semantics<arbitrary>], iteration_bounds = array<i64: 50>, scalar_prefetch = 0 : i64, scratch_operands = 0 : i64, tpu.core_type = #tpu.core_type<tc>, window_params = [{pipeline_mode = #tpu.pipeline_mode<synchronous>, transform_indices = @transform_0, window_bounds = array<i64: 1024, 1>}, {transform_indices = @transform_1, window_bounds = array<i64: 1, 2048>}, {pipeline_mode = #tpu.pipeline_mode<synchronous>, transform_indices = @transform_2, window_bounds = array<i64: 1024, 32>}, {transform_indices = @transform_3, window_bounds = array<i64: 32, 2048>}, {transform_indices = @transform_4, window_bounds = array<i64: 1, 1024, 8>}, {transform_indices = @transform_5, window_bounds = array<i64: 1, 1024, 8>}]} {
    %get3A = arith.constant 0 : index
    %get3A_0 = arith.constant 0 : index
    %get3A_1 = vector.load %arg3[%get3A, %get3A_0] : memref<1024x32xbf16, #tpu.memory_space<vmem>>, vector<1024x32xbf16>
    %get3A_2 = arith.constant 0 : index
    %get3A_3 = arith.constant 0 : index
    %get3A_4 = vector.load %arg4[%get3A_2, %get3A_3] : memref<32x2048xbf16, #tpu.memory_space<vmem>>, vector<32x2048xbf16>
    %dot_general3A = arith.constant dense<0.000000e+00> : vector<1024x2048xf32>
    %dot_general3A_5 = tpu.matmul %get3A_1, %get3A_4, %dot_general3A {dimension_numbers = #tpu.dot_dimension_numbers<[1], [0], [0], [1], [0, 0, 1, 1], [], []>, transpose_lhs_hint = false} : vector<1024x32xbf16>, vector<32x2048xbf16>, vector<1024x2048xf32> -> vector<1024x2048xf32>
    %get3A_6 = arith.constant 0 : index
    %get3A_7 = arith.constant 0 : index
    %get3A_8 = vector.load %arg1[%get3A_6, %get3A_7] : memref<1024x1xf32, #tpu.memory_space<vmem>>, vector<1024x1xf32>
    %get3A_9 = arith.constant 0 : index
    %get3A_10 = arith.constant 0 : index
    %get3A_11 = vector.load %arg2[%get3A_9, %get3A_10] : memref<1x2048xf32, #tpu.memory_space<vmem>>, vector<1x2048xf32>
    %add3A = vector.broadcast %get3A_8 : vector<1024x1xf32> to vector<1024x2048xf32>
    %add3A_12 = vector.broadcast %get3A_11 : vector<1x2048xf32> to vector<1024x2048xf32>
    %add3A_13 = arith.addf %add3A, %add3A_12 : vector<1024x2048xf32>
    %sub3A = arith.subf %add3A_13, %dot_general3A_5 : vector<1024x2048xf32>
    %max3A = arith.constant 0.000000e+00 : f32
    %max3A_14 = vector.broadcast %max3A : f32 to vector<1024x2048xf32>
    %max3A_15 = arith.maximumf %sub3A, %max3A_14 : vector<1024x2048xf32>
    %sqrt3A = math.sqrt %max3A_15 : vector<1024x2048xf32>
    %mul3A = arith.constant 2048 : i32
    %mul3A_16 = arith.muli %arg0, %mul3A : i32
    %convert_element_type3A = arith.sitofp %mul3A_16 : i32 to f32
    %iota3A = tpu.iota {dimensions = array<i32: 1>} : vector<1024x2048xi32>
    %convert_element_type3A_17 = arith.sitofp %iota3A : vector<1024x2048xi32> to vector<1024x2048xf32>
    %add3A_18 = vector.broadcast %convert_element_type3A : f32 to vector<1024x2048xf32>
    %add3A_19 = arith.addf %add3A_18, %convert_element_type3A_17 : vector<1024x2048xf32>
    %reduce_min3A = arith.constant dense<0x7F800000> : vector<1024xf32>
    %reduce_min3A_20 = vector.multi_reduction <minimumf>, %sqrt3A, %reduce_min3A [1] : vector<1024x2048xf32> to vector<1024xf32>
    %broadcast_in_dim3A = vector.shape_cast %reduce_min3A_20 : vector<1024xf32> to vector<1024x1xf32>
    %eq3A = vector.broadcast %broadcast_in_dim3A : vector<1024x1xf32> to vector<1024x2048xf32>
    %eq3A_21 = arith.cmpf oeq, %sqrt3A, %eq3A : vector<1024x2048xf32>
    %jit3A = arith.constant 1.07374182E+9 : f32
    %broadcast_in_dim3A_22 = vector.broadcast %jit3A : f32 to vector<1024x2048xf32>
    %select_n3A = arith.select %eq3A_21, %add3A_19, %broadcast_in_dim3A_22 : vector<1024x2048xi1>, vector<1024x2048xf32>
    %reduce_min3A_23 = arith.constant dense<0x7F800000> : vector<1024xf32>
    %reduce_min3A_24 = vector.multi_reduction <minimumf>, %select_n3A, %reduce_min3A_23 [1] : vector<1024x2048xf32> to vector<1024xf32>
    %broadcast_in_dim3A_25 = vector.shape_cast %reduce_min3A_24 : vector<1024xf32> to vector<1024x1xf32>
    %eq3A_26 = vector.broadcast %broadcast_in_dim3A_25 : vector<1024x1xf32> to vector<1024x2048xf32>
    %eq3A_27 = arith.cmpf oeq, %add3A_19, %eq3A_26 : vector<1024x2048xf32>
    %jit3A_28 = arith.constant 0x7F800000 : f32
    %broadcast_in_dim3A_29 = vector.broadcast %jit3A_28 : f32 to vector<1024x2048xf32>
    %select_n3A_30 = arith.select %eq3A_27, %broadcast_in_dim3A_29, %sqrt3A : vector<1024x2048xi1>, vector<1024x2048xf32>
    %reduce_min3A_31 = arith.constant dense<0x7F800000> : vector<1024xf32>
    %reduce_min3A_32 = vector.multi_reduction <minimumf>, %select_n3A_30, %reduce_min3A_31 [1] : vector<1024x2048xf32> to vector<1024xf32>
    %broadcast_in_dim3A_33 = vector.shape_cast %reduce_min3A_32 : vector<1024xf32> to vector<1024x1xf32>
    %eq3A_34 = vector.broadcast %broadcast_in_dim3A_33 : vector<1024x1xf32> to vector<1024x2048xf32>
    %eq3A_35 = arith.cmpf oeq, %select_n3A_30, %eq3A_34 : vector<1024x2048xf32>
    %jit3A_36 = arith.constant 1.07374182E+9 : f32
    %broadcast_in_dim3A_37 = vector.broadcast %jit3A_36 : f32 to vector<1024x2048xf32>
    %select_n3A_38 = arith.select %eq3A_35, %add3A_19, %broadcast_in_dim3A_37 : vector<1024x2048xi1>, vector<1024x2048xf32>
    %reduce_min3A_39 = arith.constant dense<0x7F800000> : vector<1024xf32>
    %reduce_min3A_40 = vector.multi_reduction <minimumf>, %select_n3A_38, %reduce_min3A_39 [1] : vector<1024x2048xf32> to vector<1024xf32>
    %broadcast_in_dim3A_41 = vector.shape_cast %reduce_min3A_40 : vector<1024xf32> to vector<1024x1xf32>
    %eq3A_42 = vector.broadcast %broadcast_in_dim3A_41 : vector<1024x1xf32> to vector<1024x2048xf32>
    %eq3A_43 = arith.cmpf oeq, %add3A_19, %eq3A_42 : vector<1024x2048xf32>
    %jit3A_44 = arith.constant 0x7F800000 : f32
    %broadcast_in_dim3A_45 = vector.broadcast %jit3A_44 : f32 to vector<1024x2048xf32>
    %select_n3A_46 = arith.select %eq3A_43, %broadcast_in_dim3A_45, %select_n3A_30 : vector<1024x2048xi1>, vector<1024x2048xf32>
    %reduce_min3A_47 = arith.constant dense<0x7F800000> : vector<1024xf32>
    %reduce_min3A_48 = vector.multi_reduction <minimumf>, %select_n3A_46, %reduce_min3A_47 [1] : vector<1024x2048xf32> to vector<1024xf32>
    %broadcast_in_dim3A_49 = vector.shape_cast %reduce_min3A_48 : vector<1024xf32> to vector<1024x1xf32>
    %eq3A_50 = vector.broadcast %broadcast_in_dim3A_49 : vector<1024x1xf32> to vector<1024x2048xf32>
    %eq3A_51 = arith.cmpf oeq, %select_n3A_46, %eq3A_50 : vector<1024x2048xf32>
    %jit3A_52 = arith.constant 1.07374182E+9 : f32
    %broadcast_in_dim3A_53 = vector.broadcast %jit3A_52 : f32 to vector<1024x2048xf32>
    %select_n3A_54 = arith.select %eq3A_51, %add3A_19, %broadcast_in_dim3A_53 : vector<1024x2048xi1>, vector<1024x2048xf32>
    %reduce_min3A_55 = arith.constant dense<0x7F800000> : vector<1024xf32>
    %reduce_min3A_56 = vector.multi_reduction <minimumf>, %select_n3A_54, %reduce_min3A_55 [1] : vector<1024x2048xf32> to vector<1024xf32>
    %broadcast_in_dim3A_57 = vector.shape_cast %reduce_min3A_56 : vector<1024xf32> to vector<1024x1xf32>
    %eq3A_58 = vector.broadcast %broadcast_in_dim3A_57 : vector<1024x1xf32> to vector<1024x2048xf32>
    %eq3A_59 = arith.cmpf oeq, %add3A_19, %eq3A_58 : vector<1024x2048xf32>
    %jit3A_60 = arith.constant 0x7F800000 : f32
    %broadcast_in_dim3A_61 = vector.broadcast %jit3A_60 : f32 to vector<1024x2048xf32>
    %select_n3A_62 = arith.select %eq3A_59, %broadcast_in_dim3A_61, %select_n3A_46 : vector<1024x2048xi1>, vector<1024x2048xf32>
    %reduce_min3A_63 = arith.constant dense<0x7F800000> : vector<1024xf32>
    %reduce_min3A_64 = vector.multi_reduction <minimumf>, %select_n3A_62, %reduce_min3A_63 [1] : vector<1024x2048xf32> to vector<1024xf32>
    %broadcast_in_dim3A_65 = vector.shape_cast %reduce_min3A_64 : vector<1024xf32> to vector<1024x1xf32>
    %eq3A_66 = vector.broadcast %broadcast_in_dim3A_65 : vector<1024x1xf32> to vector<1024x2048xf32>
    %eq3A_67 = arith.cmpf oeq, %select_n3A_62, %eq3A_66 : vector<1024x2048xf32>
    %jit3A_68 = arith.constant 1.07374182E+9 : f32
    %broadcast_in_dim3A_69 = vector.broadcast %jit3A_68 : f32 to vector<1024x2048xf32>
    %select_n3A_70 = arith.select %eq3A_67, %add3A_19, %broadcast_in_dim3A_69 : vector<1024x2048xi1>, vector<1024x2048xf32>
    %reduce_min3A_71 = arith.constant dense<0x7F800000> : vector<1024xf32>
    %reduce_min3A_72 = vector.multi_reduction <minimumf>, %select_n3A_70, %reduce_min3A_71 [1] : vector<1024x2048xf32> to vector<1024xf32>
    %broadcast_in_dim3A_73 = vector.shape_cast %reduce_min3A_72 : vector<1024xf32> to vector<1024x1xf32>
    %eq3A_74 = vector.broadcast %broadcast_in_dim3A_73 : vector<1024x1xf32> to vector<1024x2048xf32>
    %eq3A_75 = arith.cmpf oeq, %add3A_19, %eq3A_74 : vector<1024x2048xf32>
    %jit3A_76 = arith.constant 0x7F800000 : f32
    %broadcast_in_dim3A_77 = vector.broadcast %jit3A_76 : f32 to vector<1024x2048xf32>
    %select_n3A_78 = arith.select %eq3A_75, %broadcast_in_dim3A_77, %select_n3A_62 : vector<1024x2048xi1>, vector<1024x2048xf32>
    %reduce_min3A_79 = arith.constant dense<0x7F800000> : vector<1024xf32>
    %reduce_min3A_80 = vector.multi_reduction <minimumf>, %select_n3A_78, %reduce_min3A_79 [1] : vector<1024x2048xf32> to vector<1024xf32>
    %broadcast_in_dim3A_81 = vector.shape_cast %reduce_min3A_80 : vector<1024xf32> to vector<1024x1xf32>
    %eq3A_82 = vector.broadcast %broadcast_in_dim3A_81 : vector<1024x1xf32> to vector<1024x2048xf32>
    %eq3A_83 = arith.cmpf oeq, %select_n3A_78, %eq3A_82 : vector<1024x2048xf32>
    %jit3A_84 = arith.constant 1.07374182E+9 : f32
    %broadcast_in_dim3A_85 = vector.broadcast %jit3A_84 : f32 to vector<1024x2048xf32>
    %select_n3A_86 = arith.select %eq3A_83, %add3A_19, %broadcast_in_dim3A_85 : vector<1024x2048xi1>, vector<1024x2048xf32>
    %reduce_min3A_87 = arith.constant dense<0x7F800000> : vector<1024xf32>
    %reduce_min3A_88 = vector.multi_reduction <minimumf>, %select_n3A_86, %reduce_min3A_87 [1] : vector<1024x2048xf32> to vector<1024xf32>
    %broadcast_in_dim3A_89 = vector.shape_cast %reduce_min3A_88 : vector<1024xf32> to vector<1024x1xf32>
    %broadcast_in_dim3A_90 = arith.constant 0x7F800000 : f32
    %broadcast_in_dim3A_91 = vector.broadcast %broadcast_in_dim3A_90 : f32 to vector<1024x3xf32>
    %concatenate3A = tpu.concatenate %broadcast_in_dim3A, %broadcast_in_dim3A_33, %broadcast_in_dim3A_49, %broadcast_in_dim3A_65, %broadcast_in_dim3A_81, %broadcast_in_dim3A_91 in 1 : vector<1024x1xf32>, vector<1024x1xf32>, vector<1024x1xf32>, vector<1024x1xf32>, vector<1024x1xf32>, vector<1024x3xf32> -> vector<1024x8xf32>
    %swap3A = arith.constant 0 : index
    %swap3A_92 = arith.constant 0 : index
    %swap3A_93 = arith.constant 0 : index
    %swap3A_94 = vector.load %arg5[%swap3A, %swap3A_92, %swap3A_93] : memref<1x1024x8xf32, #tpu.memory_space<vmem>>, vector<1x1024x8xf32>
    %swap3A_95 = vector.shape_cast %swap3A_94 : vector<1x1024x8xf32> to vector<1024x8xf32>
    %swap3A_96 = vector.shape_cast %concatenate3A : vector<1024x8xf32> to vector<1x1024x8xf32>
    tpu.vector_store %arg5[%swap3A, %swap3A_92, %swap3A_93], %swap3A_96 {strides = array<i32>} : memref<1x1024x8xf32, #tpu.memory_space<vmem>>, vector<1x1024x8xf32>,
    %broadcast_in_dim3A_97 = arith.constant 1.07374182E+9 : f32
    %broadcast_in_dim3A_98 = vector.broadcast %broadcast_in_dim3A_97 : f32 to vector<1024x3xf32>
    %concatenate3A_99 = tpu.concatenate %broadcast_in_dim3A_25, %broadcast_in_dim3A_41, %broadcast_in_dim3A_57, %broadcast_in_dim3A_73, %broadcast_in_dim3A_89, %broadcast_in_dim3A_98 in 1 : vector<1024x1xf32>, vector<1024x1xf32>, vector<1024x1xf32>, vector<1024x1xf32>, vector<1024x1xf32>, vector<1024x3xf32> -> vector<1024x8xf32>
    %swap3A_100 = arith.constant 0 : index
    %swap3A_101 = arith.constant 0 : index
    %swap3A_102 = arith.constant 0 : index
    %swap3A_103 = vector.load %arg6[%swap3A_100, %swap3A_101, %swap3A_102] : memref<1x1024x8xf32, #tpu.memory_space<vmem>>, vector<1x1024x8xf32>
    %swap3A_104 = vector.shape_cast %swap3A_103 : vector<1x1024x8xf32> to vector<1024x8xf32>
    %swap3A_105 = vector.shape_cast %concatenate3A_99 : vector<1024x8xf32> to vector<1x1024x8xf32>
    tpu.vector_store %arg6[%swap3A_100, %swap3A_101, %swap3A_102], %swap3A_105 {strides = array<i32>} : memref<1x1024x8xf32, #tpu.memory_space<vmem>>, vector<1x1024x8xf32>,
    return
  }
  func.func @transform_0(%arg0: i32) -> (i32, i32) {
    %c0_i32 = arith.constant 0 : i32
    %c0_i32_0 = arith.constant 0 : i32
    %c0_i32_1 = arith.constant 0 : i32
    return %c0_i32, %c0_i32_0 : i32, i32
  }
  func.func @transform_1(%arg0: i32) -> (i32, i32) {
    %c0_i32 = arith.constant 0 : i32
    %c0_i32_0 = arith.constant 0 : i32
    return %c0_i32, %arg0 : i32, i32
  }
  func.func @transform_2(%arg0: i32) -> (i32, i32) {
    %c0_i32 = arith.constant 0 : i32
    %c0_i32_0 = arith.constant 0 : i32
    %c0_i32_1 = arith.constant 0 : i32
    return %c0_i32, %c0_i32_0 : i32, i32
  }
  func.func @transform_3(%arg0: i32) -> (i32, i32) {
    %c0_i32 = arith.constant 0 : i32
    %c0_i32_0 = arith.constant 0 : i32
    return %c0_i32, %arg0 : i32, i32
  }
  func.func @transform_4(%arg0: i32) -> (i32, i32, i32) {
    %c0_i32 = arith.constant 0 : i32
    %c0_i32_0 = arith.constant 0 : i32
    %c0_i32_1 = arith.constant 0 : i32
    return %arg0, %c0_i32, %c0_i32_0 : i32, i32, i32
  }
  func.func @transform_5(%arg0: i32) -> (i32, i32, i32) {
    %c0_i32 = arith.constant 0 : i32
    %c0_i32_0 = arith.constant 0 : i32
    %c0_i32_1 = arith.constant 0 : i32
    return %arg0, %c0_i32, %c0_i32_0 : i32, i32, i32
  }
}

module attributes {stable_mosaic.version = 14 : i64} {
  func.func @_merge_body(%arg0: memref<1024x400xf32, #tpu.memory_space<vmem>>, %arg1: memref<1024x400xf32, #tpu.memory_space<vmem>>, %arg2: memref<1024x8xi32, #tpu.memory_space<vmem>>) attributes {dimension_semantics = [], scalar_prefetch = 0 : i64, scratch_operands = 0 : i64, tpu.core_type = #tpu.core_type<tc>} {
    %get3A = arith.constant 0 : index
    %get3A_0 = arith.constant 0 : index
    %get3A_1 = vector.load %arg0[%get3A, %get3A_0] : memref<1024x400xf32, #tpu.memory_space<vmem>>, vector<1024x400xf32>
    %get3A_2 = arith.constant 0 : index
    %get3A_3 = arith.constant 0 : index
    %get3A_4 = vector.load %arg1[%get3A_2, %get3A_3] : memref<1024x400xf32, #tpu.memory_space<vmem>>, vector<1024x400xf32>
    %reduce_min3A = arith.constant dense<0x7F800000> : vector<1024xf32>
    %reduce_min3A_5 = vector.multi_reduction <minimumf>, %get3A_1, %reduce_min3A [1] : vector<1024x400xf32> to vector<1024xf32>
    %broadcast_in_dim3A = vector.shape_cast %reduce_min3A_5 : vector<1024xf32> to vector<1024x1xf32>
    %eq3A = vector.broadcast %broadcast_in_dim3A : vector<1024x1xf32> to vector<1024x400xf32>
    %eq3A_6 = arith.cmpf oeq, %get3A_1, %eq3A : vector<1024x400xf32>
    %jit3A = arith.constant 1.07374182E+9 : f32
    %broadcast_in_dim3A_7 = vector.broadcast %jit3A : f32 to vector<1024x400xf32>
    %select_n3A = arith.select %eq3A_6, %get3A_4, %broadcast_in_dim3A_7 : vector<1024x400xi1>, vector<1024x400xf32>
    %reduce_min3A_8 = arith.constant dense<0x7F800000> : vector<1024xf32>
    %reduce_min3A_9 = vector.multi_reduction <minimumf>, %select_n3A, %reduce_min3A_8 [1] : vector<1024x400xf32> to vector<1024xf32>
    %broadcast_in_dim3A_10 = vector.shape_cast %reduce_min3A_9 : vector<1024xf32> to vector<1024x1xf32>
    %eq3A_11 = vector.broadcast %broadcast_in_dim3A_10 : vector<1024x1xf32> to vector<1024x400xf32>
    %eq3A_12 = arith.cmpf oeq, %get3A_4, %eq3A_11 : vector<1024x400xf32>
    %jit3A_13 = arith.constant 0x7F800000 : f32
    %broadcast_in_dim3A_14 = vector.broadcast %jit3A_13 : f32 to vector<1024x400xf32>
    %select_n3A_15 = arith.select %eq3A_12, %broadcast_in_dim3A_14, %get3A_1 : vector<1024x400xi1>, vector<1024x400xf32>
    %reduce_min3A_16 = arith.constant dense<0x7F800000> : vector<1024xf32>
    %reduce_min3A_17 = vector.multi_reduction <minimumf>, %select_n3A_15, %reduce_min3A_16 [1] : vector<1024x400xf32> to vector<1024xf32>
    %broadcast_in_dim3A_18 = vector.shape_cast %reduce_min3A_17 : vector<1024xf32> to vector<1024x1xf32>
    %eq3A_19 = vector.broadcast %broadcast_in_dim3A_18 : vector<1024x1xf32> to vector<1024x400xf32>
    %eq3A_20 = arith.cmpf oeq, %select_n3A_15, %eq3A_19 : vector<1024x400xf32>
    %jit3A_21 = arith.constant 1.07374182E+9 : f32
    %broadcast_in_dim3A_22 = vector.broadcast %jit3A_21 : f32 to vector<1024x400xf32>
    %select_n3A_23 = arith.select %eq3A_20, %get3A_4, %broadcast_in_dim3A_22 : vector<1024x400xi1>, vector<1024x400xf32>
    %reduce_min3A_24 = arith.constant dense<0x7F800000> : vector<1024xf32>
    %reduce_min3A_25 = vector.multi_reduction <minimumf>, %select_n3A_23, %reduce_min3A_24 [1] : vector<1024x400xf32> to vector<1024xf32>
    %broadcast_in_dim3A_26 = vector.shape_cast %reduce_min3A_25 : vector<1024xf32> to vector<1024x1xf32>
    %eq3A_27 = vector.broadcast %broadcast_in_dim3A_26 : vector<1024x1xf32> to vector<1024x400xf32>
    %eq3A_28 = arith.cmpf oeq, %get3A_4, %eq3A_27 : vector<1024x400xf32>
    %jit3A_29 = arith.constant 0x7F800000 : f32
    %broadcast_in_dim3A_30 = vector.broadcast %jit3A_29 : f32 to vector<1024x400xf32>
    %select_n3A_31 = arith.select %eq3A_28, %broadcast_in_dim3A_30, %select_n3A_15 : vector<1024x400xi1>, vector<1024x400xf32>
    %reduce_min3A_32 = arith.constant dense<0x7F800000> : vector<1024xf32>
    %reduce_min3A_33 = vector.multi_reduction <minimumf>, %select_n3A_31, %reduce_min3A_32 [1] : vector<1024x400xf32> to vector<1024xf32>
    %broadcast_in_dim3A_34 = vector.shape_cast %reduce_min3A_33 : vector<1024xf32> to vector<1024x1xf32>
    %eq3A_35 = vector.broadcast %broadcast_in_dim3A_34 : vector<1024x1xf32> to vector<1024x400xf32>
    %eq3A_36 = arith.cmpf oeq, %select_n3A_31, %eq3A_35 : vector<1024x400xf32>
    %jit3A_37 = arith.constant 1.07374182E+9 : f32
    %broadcast_in_dim3A_38 = vector.broadcast %jit3A_37 : f32 to vector<1024x400xf32>
    %select_n3A_39 = arith.select %eq3A_36, %get3A_4, %broadcast_in_dim3A_38 : vector<1024x400xi1>, vector<1024x400xf32>
    %reduce_min3A_40 = arith.constant dense<0x7F800000> : vector<1024xf32>
    %reduce_min3A_41 = vector.multi_reduction <minimumf>, %select_n3A_39, %reduce_min3A_40 [1] : vector<1024x400xf32> to vector<1024xf32>
    %broadcast_in_dim3A_42 = vector.shape_cast %reduce_min3A_41 : vector<1024xf32> to vector<1024x1xf32>
    %eq3A_43 = vector.broadcast %broadcast_in_dim3A_42 : vector<1024x1xf32> to vector<1024x400xf32>
    %eq3A_44 = arith.cmpf oeq, %get3A_4, %eq3A_43 : vector<1024x400xf32>
    %jit3A_45 = arith.constant 0x7F800000 : f32
    %broadcast_in_dim3A_46 = vector.broadcast %jit3A_45 : f32 to vector<1024x400xf32>
    %select_n3A_47 = arith.select %eq3A_44, %broadcast_in_dim3A_46, %select_n3A_31 : vector<1024x400xi1>, vector<1024x400xf32>
    %reduce_min3A_48 = arith.constant dense<0x7F800000> : vector<1024xf32>
    %reduce_min3A_49 = vector.multi_reduction <minimumf>, %select_n3A_47, %reduce_min3A_48 [1] : vector<1024x400xf32> to vector<1024xf32>
    %broadcast_in_dim3A_50 = vector.shape_cast %reduce_min3A_49 : vector<1024xf32> to vector<1024x1xf32>
    %eq3A_51 = vector.broadcast %broadcast_in_dim3A_50 : vector<1024x1xf32> to vector<1024x400xf32>
    %eq3A_52 = arith.cmpf oeq, %select_n3A_47, %eq3A_51 : vector<1024x400xf32>
    %jit3A_53 = arith.constant 1.07374182E+9 : f32
    %broadcast_in_dim3A_54 = vector.broadcast %jit3A_53 : f32 to vector<1024x400xf32>
    %select_n3A_55 = arith.select %eq3A_52, %get3A_4, %broadcast_in_dim3A_54 : vector<1024x400xi1>, vector<1024x400xf32>
    %reduce_min3A_56 = arith.constant dense<0x7F800000> : vector<1024xf32>
    %reduce_min3A_57 = vector.multi_reduction <minimumf>, %select_n3A_55, %reduce_min3A_56 [1] : vector<1024x400xf32> to vector<1024xf32>
    %broadcast_in_dim3A_58 = vector.shape_cast %reduce_min3A_57 : vector<1024xf32> to vector<1024x1xf32>
    %eq3A_59 = vector.broadcast %broadcast_in_dim3A_58 : vector<1024x1xf32> to vector<1024x400xf32>
    %eq3A_60 = arith.cmpf oeq, %get3A_4, %eq3A_59 : vector<1024x400xf32>
    %jit3A_61 = arith.constant 0x7F800000 : f32
    %broadcast_in_dim3A_62 = vector.broadcast %jit3A_61 : f32 to vector<1024x400xf32>
    %select_n3A_63 = arith.select %eq3A_60, %broadcast_in_dim3A_62, %select_n3A_47 : vector<1024x400xi1>, vector<1024x400xf32>
    %reduce_min3A_64 = arith.constant dense<0x7F800000> : vector<1024xf32>
    %reduce_min3A_65 = vector.multi_reduction <minimumf>, %select_n3A_63, %reduce_min3A_64 [1] : vector<1024x400xf32> to vector<1024xf32>
    %broadcast_in_dim3A_66 = vector.shape_cast %reduce_min3A_65 : vector<1024xf32> to vector<1024x1xf32>
    %eq3A_67 = vector.broadcast %broadcast_in_dim3A_66 : vector<1024x1xf32> to vector<1024x400xf32>
    %eq3A_68 = arith.cmpf oeq, %select_n3A_63, %eq3A_67 : vector<1024x400xf32>
    %jit3A_69 = arith.constant 1.07374182E+9 : f32
    %broadcast_in_dim3A_70 = vector.broadcast %jit3A_69 : f32 to vector<1024x400xf32>
    %select_n3A_71 = arith.select %eq3A_68, %get3A_4, %broadcast_in_dim3A_70 : vector<1024x400xi1>, vector<1024x400xf32>
    %reduce_min3A_72 = arith.constant dense<0x7F800000> : vector<1024xf32>
    %reduce_min3A_73 = vector.multi_reduction <minimumf>, %select_n3A_71, %reduce_min3A_72 [1] : vector<1024x400xf32> to vector<1024xf32>
    %broadcast_in_dim3A_74 = vector.shape_cast %reduce_min3A_73 : vector<1024xf32> to vector<1024x1xf32>
    %broadcast_in_dim3A_75 = arith.constant 0.000000e+00 : f32
    %broadcast_in_dim3A_76 = vector.broadcast %broadcast_in_dim3A_75 : f32 to vector<1024x3xf32>
    %concatenate3A = tpu.concatenate %broadcast_in_dim3A_10, %broadcast_in_dim3A_26, %broadcast_in_dim3A_42, %broadcast_in_dim3A_58, %broadcast_in_dim3A_74, %broadcast_in_dim3A_76 in 1 : vector<1024x1xf32>, vector<1024x1xf32>, vector<1024x1xf32>, vector<1024x1xf32>, vector<1024x1xf32>, vector<1024x3xf32> -> vector<1024x8xf32>
    %convert_element_type3A = arith.fptosi %concatenate3A : vector<1024x8xf32> to vector<1024x8xi32>
    %swap3A = arith.constant 0 : index
    %swap3A_77 = arith.constant 0 : index
    %swap3A_78 = vector.load %arg2[%swap3A, %swap3A_77] : memref<1024x8xi32, #tpu.memory_space<vmem>>, vector<1024x8xi32>
    tpu.vector_store %arg2[%swap3A, %swap3A_77], %convert_element_type3A {strides = array<i32>} : memref<1024x8xi32, #tpu.memory_space<vmem>>, vector<1024x8xi32>,
    return
  }
}

</mosaic_0001>

<sc_bundles>
// kernel: kernel.5.cloned.1.call-start
scs
__scs_entry_jumppad:
0x0: {  	(pc) =	sbr.rel $0x88, $3  }
0x1: {  	(tag) =	ssettag $0x0;
	lr =	simm.s32 $0x1  }
0x2: {  	[smem:$0x3F9E] =	sst lr;
	_ =	strace $0xD0000000  }
0x3: {  	_ = 	snop  }
0x4: {  	_ = 	snop  }
0x5: {  	_ = 	snop  }
0x6: {  	_ = 	snop  }
0x7: {  	_ = 	snop  }
__scs_overlays_trampoline_lowered:
0x8: {  	[smem:$0x3FAD] =	sst s0  }
0x9: {  	[smem:$0x3FAE] =	sst s1  }
0xa: {  	[smem:$0x3FAF] =	sst s2  }
0xb: {  	[smem:$0x3FB0] =	sst s3  }
0xc: {  	[smem:$0x3FB1] =	sst s4  }
0xd: {  	[smem:$0x3FB2] =	sst s5  }
0xe: {  	[smem:$0x3FB3] =	sst s6  }
0xf: {  	[smem:$0x3FB4] =	sst s7  }
0x10: {  	[smem:$0x3FB5] =	sst s8  }
0x11: {  	[smem:$0x3FB6] =	sst s9;
	s0 =	simm.s32 @!p0 $0x0  }
0x12: {  	s1 =	sld [smem:$0x3F9C];
	s0 =	simm.s32 @p0 $0x1  }
0x13: {  	[smem:$0x3FB7] =	sst s0;
	s0 =	simm.s32 @!p1 $0x0  }
0x14: {  	s2 =	sld [smem:$0x3F9B];
	s0 =	simm.s32 @p1 $0x1  }
0x15: {  	[smem:$0x3FB8] =	sst s0;
	s0 =	simm.s32 @!p2 $0x0  }
0x16: {  	s3 =	sld [smem:$0x3FDB];
	s0 =	simm.s32 @p2 $0x1  }
0x17: {  	s4 =	simm.s32 $0x1BF5;
	[smem:$0x3FBA] =	sst s0  }
0x18: {  	s0 =	sld [smem:$0x3F9D];
	_ =	swait.ge [sflag:s4], $0x0  }
0x19: {  	s7 =	sld [smem:$0x3F9E]  }
0x1a: {  	s8 =	sadd.s32 $0xFFFFE003, lr  }
0x1b: {  	s9 =	sadd.s32 $0xFFFFFEF7, lr;
	s5 =	simm.s32 $0xFFFFFFFF;
	p2 =	slt.u32 s8, $0xFFFFF086  }
0x1c: {  	p1 =	slt.u32 s9, $0xF7A;
	s5 =	simm.s32 @!p2 $0x0  }
0x1d: {  	s5 =	simm.s32 @p1 $0x1;
	p0 =	seq.s32 s7, s2  }
0x1e: {  	s7 =	smul.u32 @!p0 $0xF7A, s2;
	p2 =	seq.s32 @!p0 s5, $0x0  }
0x1f: {  	s9 =	smul.u32 $0xF7A, s1;
	s8 =	simm.s32 @!p0 $0x1BF5;
	p2 =	por !p2, p0  }
0x20: {  	[sflag:s8] =	ssyncset.s32 @!p0 $0xFFFFF086;
	s6 =	sadd.s32 @!p0 s3, s7;
	s7 =	simm.s32 @!p0 $0x108  }
0x21: {  	s3 =	sadd.s32 s3, s9;
	s6 =	sadd.s32 @!p0 $0x88, s6;
	s7 =	simm.s32 @p2 $0x1082  }
0x22: {  	[simem:s7], [sflag:s8] =	dma.local @!p0 [hbm:s6], $0xF7A  }
0x23: {  	s9 =	sor.u32 $0xD0000000, s2;
	s6 =	simm.s32 $0x108;
	_ =	swait.ge @!p0 [sflag:s8], $0x0  }
0x24: {  	s3 =	sadd.s32 $0x88, s3;
	s6 =	simm.s32 @!p1 $0x1082;
	[sflag:s4] =	ssyncset.s32 $0xFFFFF086  }
0x25: {  	[simem:s6], [sflag:s4] =	dma.local [hbm:s3], $0xF7A  }
0x26: {  	[smem:$0x3F9E] =	sst s1;
	(tag) =	ssettag s2;
	_ =	strace s9  }
0x27: {  	s1 =	sld [smem:$0x3FAE]  }
0x28: {  	s2 =	sld [smem:$0x3FAF]  }
0x29: {  	s4 =	sld [smem:$0x3FB1]  }
0x2a: {  	p0 =	seq.s32 s5, $0x0;
	s5 =	sld [smem:$0x3FB2]  }
0x2b: {  	s6 =	sld [smem:$0x3FB3]  }
0x2c: {  	s7 =	sld [smem:$0x3FB4]  }
0x2d: {  	s3 =	simm.s32 $0x108;
	s8 =	sld [smem:$0x3FB5]  }
0x2e: {  	s3 =	simm.s32 @!p0 $0x1082;
	s9 =	sld [smem:$0x3FB6]  }
0x2f: {  	lr =	sadd.s32 s0, s3;
	s0 =	sld [smem:$0x3FAD]  }
0x30: {  	s3 =	sld [smem:$0x3FB0]  }
0x31: {  	[smem:$0x3FB9] =	sst s10  }
0x32: {  	s10 =	sld [smem:$0x3FB7];
	_ =	sdelay $0x3  }
0x33: {  	p0 =	seq.s32 s10, $0x1;
	s10 =	sld [smem:$0x3FB9];
	_ =	sdelay $0x3  }
0x34: {  	[smem:$0x3FB9] =	sst s10  }
0x35: {  	s10 =	sld [smem:$0x3FB8];
	_ =	sdelay $0x3  }
0x36: {  	p1 =	seq.s32 s10, $0x1;
	s10 =	sld [smem:$0x3FB9];
	_ =	sdelay $0x3  }
0x37: {  	[smem:$0x3FB9] =	sst s10  }
0x38: {  	s10 =	sld [smem:$0x3FBA]  }
0x39: {  	_ = 	snop;
	(pc) =	sbr.ind lr, $3  }
0x3a: {  	_ = 	snop  }
0x3b: {  	_ = 	snop  }
0x3c: {  	p2 =	seq.s32 s10, $0x1;
	s10 =	sld [smem:$0x3FB9]  }
0x3d: {  	_ =	shalt  }
0x3e: {  	_ =	shalt  }
0x3f: {  	_ =	shalt  }
0x40: {  	_ =	shalt  }
0x41: {  	_ =	shalt  }
0x42: {  	_ =	shalt  }
0x43: {  	_ =	shalt  }
0x44: {  	_ =	shalt  }
0x45: {  	_ =	shalt  }
0x46: {  	_ =	shalt  }
0x47: {  	_ =	shalt  }
0x48: {  	_ =	shalt  }
0x49: {  	_ =	shalt  }
0x4a: {  	_ =	shalt  }
0x4b: {  	_ =	shalt  }
0x4c: {  	_ =	shalt  }
0x4d: {  	_ =	shalt  }
0x4e: {  	_ =	shalt  }
0x4f: {  	_ =	shalt  }
0x50: {  	_ =	shalt  }
0x51: {  	_ =	shalt  }
0x52: {  	_ =	shalt  }
0x53: {  	_ =	shalt  }
0x54: {  	_ =	shalt  }
0x55: {  	_ =	shalt  }
0x56: {  	_ =	shalt  }
0x57: {  	_ =	shalt  }
0x58: {  	_ =	shalt  }
0x59: {  	_ =	shalt  }
0x5a: {  	_ =	shalt  }
0x5b: {  	_ =	shalt  }
0x5c: {  	_ =	shalt  }
0x5d: {  	_ =	shalt  }
0x5e: {  	_ =	shalt  }
0x5f: {  	_ =	shalt  }
0x60: {  	_ =	shalt  }
0x61: {  	_ =	shalt  }
0x62: {  	_ =	shalt  }
0x63: {  	_ =	shalt  }
0x64: {  	_ =	shalt  }
0x65: {  	_ =	shalt  }
0x66: {  	_ =	shalt  }
0x67: {  	_ =	shalt  }
0x68: {  	_ =	shalt  }
0x69: {  	_ =	shalt  }
0x6a: {  	_ =	shalt  }
0x6b: {  	_ =	shalt  }
0x6c: {  	_ =	shalt  }
0x6d: {  	_ =	shalt  }
0x6e: {  	_ =	shalt  }
0x6f: {  	_ =	shalt  }
0x70: {  	_ =	shalt  }
0x71: {  	_ =	shalt  }
0x72: {  	_ =	shalt  }
0x73: {  	_ =	shalt  }
0x74: {  	_ =	shalt  }
0x75: {  	_ =	shalt  }
0x76: {  	_ =	shalt  }
0x77: {  	_ =	shalt  }
0x78: {  	_ =	shalt  }
0x79: {  	_ =	shalt  }
0x7a: {  	_ =	shalt  }
0x7b: {  	_ =	shalt  }
0x7c: {  	_ =	shalt  }
0x7d: {  	_ =	shalt  }
0x7e: {  	_ =	shalt  }
0x7f: {  	_ =	shalt  }
0x80: {  	_ =	shalt  }
0x81: {  	_ =	shalt  }
0x82: {  	_ =	shalt  }
0x83: {  	_ =	shalt  }
0x84: {  	_ =	shalt  }
0x85: {  	_ =	shalt  }
0x86: {  	_ =	shalt  }
0x87: {  	_ =	shalt  }
.Lfunc_end0:
.L_simem_size_0:
called_computation_lowered:
.L_overlay_start_0:
0x88: {  	s2 =	sld [smem:$0x3FD9]  }
0x89: {  	s3 =	sld [smem:$0x3FFE];
	_ =	sdelay $0x1  }
0x8a: {  	s1 =	srdreg.scid  }
0x8b: {  	s0 =	sand.u32 $0x1, s1  }
0x8c: {  	s17 =	sshll.u32 s0, $0xA;
	s2 =	sadd.s32 s3, s2  }
0x8d: {  	s2 =	sadd.s32 s2, s17  }
0x8e: {  	[smem:$0x3FC5] =	sst s2  }
0x8f: {  	_ = 	snop  }
0x90: {  	s2 =	sld [smem:$0x3FC7]  }
0x91: {  	s18 =	sld [smem:$0x3FD0];
	(tm) =	ssettm $0x1  }
0x92: {  	s4 =	sld [smem:$0x3FFB];
	_ =	sdelay $0x3  }
0x93: {  	_ =	strace s4  }
0x94: {  	s4 =	sld [smem:$0x3FFC];
	_ =	sdelay $0x3  }
0x95: {  	_ =	strace s4  }
0x96: {  	s4 =	sld [smem:$0x3FFD];
	_ =	sdelay $0x3  }
0x97: {  	_ =	strace s4  }
0x98: {  	_ =	strace $0x8FFFFFFF  }
0x99: {  	s19 =	sld [smem:$0x3FDB];
	_ =	sdelay $0x1  }
0x9a: {  	s5 =	simm.s32 $_scs_section_size  }
0x9b: {  	s6 =	simm.s32 $_size__tile_overlayer_lowered;
	s7 =	simm.s32 $_tile_overlayer_lowered  }
0x9c: {  	s22 =	simm.s32 $0x1BFF;
	s21 =	sshll.u32 s7, $0x1;
	s4 =	sadd.s32 s5, s19  }
0x9d: {  	s8 =	simm.s32 $0x0;
	s20 =	sshll.u32 s6, $0x1;
	s6 =	sadd.s32 s21, s4  }
0x9e: {  	[timem:s8], [sflag:s22] =	dma.local [hbm:s6], s20  }
0x9f: {  	_ =	swait.ge [sflag:s22], s20  }
0xa0: {  	s5 =	ssub.s32 $0x0, s20;
	[sflag:s22] =	ssyncset.done $0x0  }
0xa1: {  	[sflag:s22] =	ssyncadd.s32 s5;
	_ =	sdelay $0x1  }
0xa2: {  	s23 =	simm.s32 $0x1B8B  }
0xa3: {  	_ =	swait.ge [sflag:s23], $0x1  }
0xa4: {  	[sflag:s23] =	ssyncset.done $0x0  }
0xa5: {  	s25 =	simm.s32 $0x1B8E;
	s24 =	sld [smem:$0x3FFE];
	[sflag:s23] =	ssyncadd.s32 $0xFFFFFFFF  }
0xa6: {  	s26 =	simm.s32 $execute0_lowered;
	[smem:$0x3FD2] =	sst s25  }
0xa7: {  	s6 =	sshll.u32 s26, $0x1;
	_ =	strace $0x80000046;
	[dreg:$0x1] =	wrdreg $0xFFFFFFFF  }
0xa8: {  	s28 =	simm.s32 $_size_execute0_lowered;
	s4 =	sadd.s32 s4, s6;
	[dreg:$0x0] =	wrdreg $0x0  }
0xa9: {  	s6 =	sshll.u32 s28, $0x1;
	[dreg:$0x2] =	wrdreg s4  }
0xaa: {  	[dreg:$0x3] =	wrdreg s6  }
0xab: {  	[dreg:$0x4] =	wrdreg $0xC0  }
0xac: {  	_ =	task [dreg:s8], $0x5FFFF  }
0xad: {  	[dreg:$0x1] =	wrdreg $0xFFFFFFFF  }
0xae: {  	[dreg:$0x0] =	wrdreg $0x60  }
0xaf: {  	[dreg:$0x2] =	wrdreg s2  }
0xb0: {  	[dreg:$0x3] =	wrdreg s24  }
0xb1: {  	[dreg:$0x4] =	wrdreg s18  }
0xb2: {  	[dreg:$0x5] =	wrdreg $0x9  }
0xb3: {  	_ =	task.clear_ibuf [dreg:s8], $0x6FFFF;
	_ =	strace $0x90000046  }
0xb4: {  	s29 =	simm.s32 $0x9;
	_ =	strace $0x80000048  }
0xb5: {  	_ =	swait.ge [sflag:s29], $0x1  }
0xb6: {  	[sflag:s29] =	ssyncadd.s32 $0xFFFFFFFF  }
0xb7: {  	_ =	strace $0x90000048  }
0xb8: {  	_ =	sfence  }
0xb9: {  	s30 =	sld [smem:$0x0];
	_ =	sdelay $0x2  }
0xba: {  	s31 =	sshll.u32 s1, $0xD;
	s1 =	sshrl.u32 s1, $0x2  }
0xbb: {  	s3 =	sand.u32 $0x4000, s31;
	s1 =	sadd.s32 s1, s30  }
0xbc: {  	s0 =	sor.u32 s3, s0;
	s1 =	sshll.u32 s1, $0x11  }
0xbd: {  	s0 =	sor.u32 s1, s0  }
0xbe: {  	s0 =	sadd.s32 $0x8F2B, s0  }
0xbf: {  	[sflag:s0] =	ssyncadd.remote.s32 $0x1  }
0xc0: {  	_ =	sfence.sel $0xFFFF  }
0xc1: {  	[dreg:$0x0] =	wrdreg $0xFFFFFFFF;
	(pc) =	sbr.abs _section_cstart, $3  }
0xc2: {  	[dreg:$0x1] =	wrdreg $0xFFFFFFFF  }
0xc3: {  	_ =	task.clear_ibuf [dreg:s8], $0x2FFFF;
	_ =	strace $0x9FFFFFFF  }
0xc4: {  	(tm) =	ssettm $0x7FFFFFFF  }
0xc5: {  	_ =	shalt  }
tec
execute0_lowered:
.L_overlay_start_1:
0x0: {  	(tag) =	ssettag $0x1  }
0x1: {  	s4 =	rddreg [dreg:$0x0];
	s1 =	srdreg.scid  }
0x2: {  	s3 =	rddreg [dreg:$0x1];
	s0 =	stileid.u32;
	s23 =	sand.u32 $0x1, s1  }
0x3: {  	s21 =	rddreg [dreg:$0x2];
	s5 =	sshll.u32 s0, $0x3;
	s6 =	sshll.u32 s23, $0x2  }
0x4: {  	s2 =	simm.s32 $0x0;
	s1 =	rddreg [dreg:$0x3];
	s22 =	sor.u32 s6, s5  }
0x5: {  	[smem:$0x7FF] =	sst s2;
	s12 =	sadd.s32 s22, s3  }
0x6: {  	_ =	strace $0x80000047;
	s3 =	simm.s32 $0x2;
	s5 =	sadd.s32 $0x200, s12  }
0x7: {  	[tilespmem:s2], [sflag:$0x2] =	stream.linear.gather [hbm4b:s5+s2], $0x20, $0x38;
	[tilespmem:$0x580] =	vst v63  }
0x8: {  	_ =	swait.ge [sflag:s3], $0x20  }
0x9: {  	[sflag:s3] =	ssyncset.done $0x0  }
0xa: {  	s7 =	simm.s32 $0x80;
	s6 =	sadd.s32 $0x280, s12;
	[sflag:s3] =	ssyncadd.s32 $0xFFFFFFE0  }
0xb: {  	[tilespmem:s7], [sflag:$0x2] =	stream.linear.gather [hbm4b:s6+s2], $0x20, $0x38;
	[tilespmem:$0x580] =	vst v63  }
0xc: {  	_ =	swait.ge [sflag:s3], $0x20  }
0xd: {  	[sflag:s3] =	ssyncset.done $0x0  }
0xe: {  	s9 =	simm.s32 $0x100;
	s8 =	sadd.s32 $0x300, s12;
	[sflag:s3] =	ssyncadd.s32 $0xFFFFFFE0  }
0xf: {  	[tilespmem:s9], [sflag:$0x2] =	stream.linear.gather [hbm4b:s8+s2], $0x20, $0x38;
	[tilespmem:$0x580] =	vst v63  }
0x10: {  	_ =	swait.ge [sflag:s3], $0x20  }
0x11: {  	[sflag:s3] =	ssyncset.done $0x0  }
0x12: {  	s11 =	simm.s32 $0x180;
	s10 =	sadd.s32 $0x380, s12;
	[sflag:s3] =	ssyncadd.s32 $0xFFFFFFE0  }
0x13: {  	[tilespmem:s11], [sflag:$0x2] =	stream.linear.gather [hbm4b:s10+s2], $0x20, $0x38;
	[tilespmem:$0x580] =	vst v63  }
0x14: {  	_ =	swait.ge [sflag:s3], $0x20  }
0x15: {  	[sflag:s3] =	ssyncset.done $0x0  }
0x16: {  	s13 =	simm.s32 $0x200;
	s12 =	sadd.s32 $0x400, s12;
	[sflag:s3] =	ssyncadd.s32 $0xFFFFFFE0  }
0x17: {  	[tilespmem:s13], [sflag:$0x2] =	stream.linear.gather [hbm4b:s12+s2], $0x20, $0x38;
	[tilespmem:$0x580] =	vst v63  }
0x18: {  	_ =	swait.ge [sflag:s3], $0x20  }
0x19: {  	s14 =	simm.s32 $0x20;
	[sflag:s3] =	ssyncset.done $0x0  }
0x1a: {  	s15 =	simm.s32 $0x280;
	s16 =	simm.s32 $0x1;
	[sflag:s3] =	ssyncadd.s32 $0xFFFFFFE0  }
0x1b: {  	[tilespmem:s15], [sflag:$0x1] =	stream.indirect.gather [hbm4b:s4+s14], $0x1, s2, s14, $0xb8;
	[tilespmem:$0x580] =	vst v63  }
0x1c: {  	_ =	swait.ge [sflag:s16], $0x20  }
0x1d: {  	[sflag:s16] =	ssyncset.done $0x0  }
0x1e: {  	s17 =	simm.s32 $0x300;
	[sflag:s16] =	ssyncadd.s32 $0xFFFFFFE0  }
0x1f: {  	[tilespmem:s17], [sflag:$0x1] =	stream.indirect.gather [hbm4b:s4+s14], $0x1, s7, s14, $0xb8;
	[tilespmem:$0x580] =	vst v63  }
0x20: {  	_ =	swait.ge [sflag:s16], $0x20  }
0x21: {  	[sflag:s16] =	ssyncset.done $0x0  }
0x22: {  	s18 =	simm.s32 $0x380;
	[sflag:s16] =	ssyncadd.s32 $0xFFFFFFE0  }
0x23: {  	[tilespmem:s18], [sflag:$0x1] =	stream.indirect.gather [hbm4b:s4+s14], $0x1, s9, s14, $0xb8;
	[tilespmem:$0x580] =	vst v63  }
0x24: {  	_ =	swait.ge [sflag:s16], $0x20  }
0x25: {  	[sflag:s16] =	ssyncset.done $0x0  }
0x26: {  	s19 =	simm.s32 $0x400;
	[sflag:s16] =	ssyncadd.s32 $0xFFFFFFE0  }
0x27: {  	[tilespmem:s19], [sflag:$0x1] =	stream.indirect.gather [hbm4b:s4+s14], $0x1, s11, s14, $0xb8;
	[tilespmem:$0x580] =	vst v63  }
0x28: {  	_ =	swait.ge [sflag:s16], $0x20  }
0x29: {  	[sflag:s16] =	ssyncset.done $0x0  }
0x2a: {  	s20 =	simm.s32 $0x480;
	[sflag:s16] =	ssyncadd.s32 $0xFFFFFFE0  }
0x2b: {  	[tilespmem:s20], [sflag:$0x1] =	stream.indirect.gather [hbm4b:s4+s14], $0x1, s13, s14, $0xb8;
	[tilespmem:$0x580] =	vst v63  }
0x2c: {  	_ =	swait.ge [sflag:s16], $0x20  }
0x2d: {  	[sflag:s16] =	ssyncset.done $0x0  }
0x2e: {  	[sflag:s16] =	ssyncadd.s32 $0xFFFFFFE0  }
0x2f: {  	v2 =	vld [tilespmem:$0x490]  }
0x30: {  	v6 =	vld [tilespmem:$0x410]  }
0x31: {  	v9 =	vld [tilespmem:$0x390]  }
0x32: {  	v10 =	vld [tilespmem:$0x310]  }
0x33: {  	v8 =	vld [tilespmem:$0x300]  }
0x34: {  	v5 =	vld [tilespmem:$0x380];
	_ =	sdelay $0x1  }
0x35: {  	v11 =	vld [tilespmem:$0x290]  }
0x36: {  	v1 =	vimm.s32 $0x1;
	v0 =	vimm.s32 $0x0;
	v4 =	vld [tilespmem:$0x280];
	vm0 =	veq.s32 v6, v2  }
0x37: {  	vm1 =	veq.s32 v9, v6;
	vm2 =	veq.s32 v9, v2;
	vm3 =	veq.s32 v10, v6  }
0x38: {  	vm4 =	veq.s32 v10, v2;
	vm15 =	veq.s32 v8, v5;
	v12 =	vsel vm0, $0x1, v0  }
0x39: {  	vm0 =	veq.s32 v10, v9;
	v13 =	vsel vm4, $0x1, v0;
	v14 =	vsel vm1, $0x2, v1  }
0x3a: {  	v3 =	vld [tilespmem:$0x400];
	vm1 =	veq.s32 v11, v9;
	v15 =	vsel vm3, $0x1, v0;
	v18 =	vsel vm2, $0x1, v0  }
0x3b: {  	vm2 =	veq.s32 v11, v2;
	vm3 =	veq.s32 v4, v8;
	v7 =	vsel vm0, $0x1, v0  }
0x3c: {  	vm0 =	veq.s32 v11, v10;
	v17 =	vsel vm1, $0x1, v0;
	v20 =	vadd.s32 v15, v14  }
0x3d: {  	vm1 =	veq.s32 v11, v6;
	v25 =	vsel vm2, $0x1, v0;
	v16 =	vsel vm0, $0x2, v1  }
0x3e: {  	vm2 =	veq.s32 v4, v5;
	v19 =	vadd.s32 v17, v16;
	v16 =	vadd.s32 v7, v16  }
0x3f: {  	s23 =	ssub.s32 $0x2, s23;
	v23 =	vsel vm3, $0x2, v1;
	vm0 =	veq.s32 v4, v3;
	v15 =	vadd.s32 v15, v16  }
0x40: {  	s24 =	sshrl.u32 s23, $0x1;
	v16 =	vadd.s32 v7, v14;
	v14 =	vadd.s32 v13, v15;
	v15 =	vsel vm1, $0x1, v0  }
0x41: {  	s23 =	ssub.s32 s23, s24;
	v7 =	vld [tilespmem:$0x480];
	v13 =	vadd.s32 v13, v25;
	v16 =	vadd.s32 v17, v16;
	vm1 =	veq.s32 v5, v3  }
0x42: {  	s23 =	smax.u32 s23, $0x1;
	v14 =	vmul.u32 $0x3E8, v14;
	v13 =	vadd.s32 v18, v13;
	v26 =	vadd.s32 v15, v19  }
0x43: {  	p0 =	sne.s32 s23, $0x1;
	v17 =	vadd.s32 v15, v20;
	v16 =	vadd.s32 v18, v16;
	v19 =	vsel vm15, $0x1, v0  }
.Ltmp0:
0x44: {  	v20 =	vsel vm2, $0x1, v0;
	v18 =	vsel vm1, $0x2, v1;
	v16 =	vmul.u32 $0x3E8, v16;
	(pc) =	sbr.rel @!p0 .LBB2_2-.Ltmp0, $4  }
0x45: {  	v21 =	vadd.s32 v12, v17;
	v25 =	vadd.s32 v25, v26;
	v14 =	vsub.s32 v14, v10  }
0x46: {  	v24 =	vmul.u32 $0x3E8, v21;
	v21 =	vadd.s32 v19, v23;
	vm5 =	veq.s32 v5, v7  }
0x47: {  	v17 =	vsub.s32 v16, v9;
	v16 =	vsel vm0, $0x1, v0;
	vm0 =	veq.s32 v8, v3  }
0x48: {  	s21 =	sadd.s32 s21, s22;
	s22 =	simm.s32 $0x500;
	s23 =	sadd.s32 $0xFFFFFFFF, s23;
	vm1 =	veq.s32 v8, v7;
	v15 =	vsel vm5, $0x1, v0;
	v22 =	vsel vm0, $0x1, v0  }
.LBB2_1:
0x49: {  	p0 =	sne.s32 s23, $0x1;
	s23 =	sadd.s32 $0xFFFFFFFF, s23;
	v26 =	vsel vm1, $0x1, v0;
	v19 =	vadd.s32 v19, v18;
	v24 =	vsub.s32 v24, v6  }
0x4a: {  	v23 =	vadd.s32 v20, v23;
	v19 =	vadd.s32 v20, v19;
	v20 =	vmul.u32 $0x3E8, v25  }
0x4b: {  	vm0 =	veq.s32 v4, v7;
	v23 =	vadd.s32 v16, v23;
	v19 =	vadd.s32 v15, v19  }
0x4c: {  	v18 =	vadd.s32 v22, v18;
	v25 =	vsel vm0, $0x1, v0;
	v20 =	vsub.s32 v20, v11  }
0x4d: {  	v21 =	vadd.s32 v22, v21;
	vm0 =	veq.s32 v3, v7;
	vm1 =	vgt.s32 v14, v20  }
0x4e: {  	v22 =	vsel vm0, $0x1, v0;
	v10 =	vsel vm1, v10, v11;
	v11 =	vsel vm1, v14, v20  }
0x4f: {  	v12 =	vadd.s32 v12, v13;
	v14 =	vadd.s32 v25, v23;
	vm0 =	vgt.s32 v17, v11  }
0x50: {  	v13 =	vadd.s32 v26, v21;
	v20 =	vadd.s32 v26, v25;
	v11 =	vsel vm0, v17, v11  }
0x51: {  	v12 =	vmul.u32 $0x3E8, v12;
	v13 =	vmul.u32 $0x3E8, v13;
	vm1 =	vgt.s32 v24, v11  }
0x52: {  	v15 =	vadd.s32 v15, v20;
	v9 =	vsel vm0, v9, v10;
	v10 =	vsel vm1, v24, v11  }
0x53: {  	v12 =	vsub.s32 v12, v2;
	v11 =	vmul.u32 $0x3E8, v14;
	v14 =	vmul.u32 $0x3E8, v19  }
0x54: {  	v16 =	vadd.s32 v16, v18;
	v13 =	vsub.s32 v13, v8;
	v6 =	vsel vm1, v6, v9  }
0x55: {  	v15 =	vadd.s32 v22, v15;
	v9 =	vsub.s32 v11, v4;
	v11 =	vadd.s32 v22, v16  }
0x56: {  	v15 =	vmul.u32 $0x3E8, v15;
	vm0 =	vgt.s32 v13, v9;
	v11 =	vmul.u32 $0x3E8, v11  }
0x57: {  	v12 =	vadd.s32 $0x3E8, v12;
	v9 =	vsel vm0, v13, v9;
	v13 =	vsub.s32 v14, v5  }
0x58: {  	v4 =	vsel vm0, v8, v4;
	vm0 =	vgt.s32 v13, v9;
	v8 =	vsub.s32 v11, v3  }
0x59: {  	vm1 =	vgt.s32 v12, v10;
	v11 =	vsub.s32 v15, v7;
	v9 =	vsel vm0, v13, v9  }
0x5a: {  	v4 =	vsel vm0, v5, v4;
	v5 =	vadd.s32 $0x3E8, v11;
	vm0 =	vgt.s32 v8, v9  }
0x5b: {  	v2 =	vsel vm1, v2, v6;
	v3 =	vsel vm0, v3, v4;
	v4 =	vsel vm0, v8, v9  }
0x5c: {  	vm0 =	vgt.s32 v5, v4;
	[tilespmem:$0x510] =	vst v2  }
0x5d: {  	v2 =	vsel vm0, v7, v3  }
0x5e: {  	[tilespmem:$0x500] =	vst v2  }
0x5f: {  	[hbm4b:s21+s2] =	stream.linear.scatter [tilespmem:s22], [sflag:$0x2], $0x20, $0x38;
	[tilespmem:$0x580] =	vst v63  }
0x60: {  	_ =	swait.ge [sflag:s3], $0x20  }
0x61: {  	[sflag:s3] =	ssyncset.done $0x0  }
0x62: {  	[sflag:s3] =	ssyncadd.s32 $0xFFFFFFE0  }
0x63: {  	[tilespmem:s2], [sflag:$0x2] =	stream.linear.gather [hbm4b:s5+s2], $0x20, $0x38;
	[tilespmem:$0x580] =	vst v63  }
0x64: {  	_ =	swait.ge [sflag:s3], $0x20  }
0x65: {  	[sflag:s3] =	ssyncset.done $0x0  }
0x66: {  	[sflag:s3] =	ssyncadd.s32 $0xFFFFFFE0  }
0x67: {  	[tilespmem:s7], [sflag:$0x2] =	stream.linear.gather [hbm4b:s6+s2], $0x20, $0x38;
	[tilespmem:$0x580] =	vst v63  }
0x68: {  	_ =	swait.ge [sflag:s3], $0x20  }
0x69: {  	[sflag:s3] =	ssyncset.done $0x0  }
0x6a: {  	[sflag:s3] =	ssyncadd.s32 $0xFFFFFFE0  }
0x6b: {  	[tilespmem:s9], [sflag:$0x2] =	stream.linear.gather [hbm4b:s8+s2], $0x20, $0x38;
	[tilespmem:$0x580] =	vst v63  }
0x6c: {  	_ =	swait.ge [sflag:s3], $0x20  }
0x6d: {  	[sflag:s3] =	ssyncset.done $0x0  }
0x6e: {  	[sflag:s3] =	ssyncadd.s32 $0xFFFFFFE0  }
0x6f: {  	[tilespmem:s11], [sflag:$0x2] =	stream.linear.gather [hbm4b:s10+s2], $0x20, $0x38;
	[tilespmem:$0x580] =	vst v63  }
0x70: {  	_ =	swait.ge [sflag:s3], $0x20  }
0x71: {  	[sflag:s3] =	ssyncset.done $0x0  }
0x72: {  	[sflag:s3] =	ssyncadd.s32 $0xFFFFFFE0  }
0x73: {  	[tilespmem:s13], [sflag:$0x2] =	stream.linear.gather [hbm4b:s12+s2], $0x20, $0x38;
	[tilespmem:$0x580] =	vst v63  }
0x74: {  	_ =	swait.ge [sflag:s3], $0x20  }
0x75: {  	[sflag:s3] =	ssyncset.done $0x0  }
0x76: {  	[sflag:s3] =	ssyncadd.s32 $0xFFFFFFE0  }
0x77: {  	[tilespmem:s15], [sflag:$0x1] =	stream.indirect.gather [hbm4b:s4+s14], $0x1, s2, s14, $0xb8;
	[tilespmem:$0x580] =	vst v63  }
0x78: {  	_ =	swait.ge [sflag:s16], $0x20  }
0x79: {  	[sflag:s16] =	ssyncset.done $0x0  }
0x7a: {  	[sflag:s16] =	ssyncadd.s32 $0xFFFFFFE0  }
0x7b: {  	[tilespmem:s17], [sflag:$0x1] =	stream.indirect.gather [hbm4b:s4+s14], $0x1, s7, s14, $0xb8;
	[tilespmem:$0x580] =	vst v63  }
0x7c: {  	_ =	swait.ge [sflag:s16], $0x20  }
0x7d: {  	[sflag:s16] =	ssyncset.done $0x0  }
0x7e: {  	[sflag:s16] =	ssyncadd.s32 $0xFFFFFFE0  }
0x7f: {  	[tilespmem:s18], [sflag:$0x1] =	stream.indirect.gather [hbm4b:s4+s14], $0x1, s9, s14, $0xb8;
	[tilespmem:$0x580] =	vst v63  }
0x80: {  	_ =	swait.ge [sflag:s16], $0x20  }
0x81: {  	[sflag:s16] =	ssyncset.done $0x0  }
0x82: {  	[sflag:s16] =	ssyncadd.s32 $0xFFFFFFE0  }
0x83: {  	[tilespmem:s19], [sflag:$0x1] =	stream.indirect.gather [hbm4b:s4+s14], $0x1, s11, s14, $0xb8;
	[tilespmem:$0x580] =	vst v63  }
0x84: {  	_ =	swait.ge [sflag:s16], $0x20  }
0x85: {  	[sflag:s16] =	ssyncset.done $0x0  }
0x86: {  	[sflag:s16] =	ssyncadd.s32 $0xFFFFFFE0  }
0x87: {  	[tilespmem:s20], [sflag:$0x1] =	stream.indirect.gather [hbm4b:s4+s14], $0x1, s13, s14, $0xb8;
	[tilespmem:$0x580] =	vst v63  }
0x88: {  	_ =	swait.ge [sflag:s16], $0x20  }
0x89: {  	[sflag:s16] =	ssyncset.done $0x0  }
0x8a: {  	[sflag:s16] =	ssyncadd.s32 $0xFFFFFFE0  }
0x8b: {  	v2 =	vld [tilespmem:$0x490]  }
0x8c: {  	v6 =	vld [tilespmem:$0x410]  }
0x8d: {  	v9 =	vld [tilespmem:$0x390]  }
0x8e: {  	v10 =	vld [tilespmem:$0x310]  }
0x8f: {  	v4 =	vld [tilespmem:$0x280]  }
0x90: {  	v11 =	vld [tilespmem:$0x290]  }
0x91: {  	vm0 =	veq.s32 v6, v2  }
0x92: {  	v5 =	vld [tilespmem:$0x380];
	vm1 =	veq.s32 v9, v6;
	vm2 =	veq.s32 v9, v2;
	v12 =	vsel vm0, $0x1, v0  }
0x93: {  	v3 =	vld [tilespmem:$0x400];
	vm0 =	veq.s32 v10, v9;
	vm3 =	veq.s32 v10, v6;
	vm4 =	veq.s32 v10, v2  }
0x94: {  	v15 =	vsel vm1, $0x2, v1;
	v8 =	vld [tilespmem:$0x300];
	v13 =	vsel vm0, $0x1, v0;
	v14 =	vsel vm4, $0x1, v0  }
0x95: {  	v16 =	vsel vm3, $0x1, v0;
	v7 =	vld [tilespmem:$0x480];
	vm0 =	veq.s32 v11, v10;
	vm1 =	veq.s32 v11, v9  }
0x96: {  	v19 =	vsel vm2, $0x1, v0;
	v17 =	vsel vm0, $0x2, v1;
	v18 =	vsel vm1, $0x1, v0  }
0x97: {  	v21 =	vadd.s32 v16, v15;
	v20 =	vadd.s32 v18, v17;
	v17 =	vadd.s32 v13, v17  }
0x98: {  	v13 =	vadd.s32 v13, v15;
	vm0 =	veq.s32 v4, v3;
	v16 =	vadd.s32 v16, v17  }
0x99: {  	vm2 =	veq.s32 v11, v2;
	vm1 =	veq.s32 v11, v6;
	v15 =	vadd.s32 v14, v16  }
0x9a: {  	v25 =	vsel vm2, $0x1, v0;
	vm3 =	veq.s32 v4, v8;
	v15 =	vmul.u32 $0x3E8, v15  }
0x9b: {  	vm2 =	veq.s32 v4, v5;
	v17 =	vadd.s32 v14, v25;
	v16 =	vsel vm1, $0x1, v0  }
0x9c: {  	v14 =	vsub.s32 v15, v10;
	v15 =	vadd.s32 v18, v13;
	v13 =	vadd.s32 v19, v17  }
0x9d: {  	vm1 =	veq.s32 v5, v3;
	v26 =	vadd.s32 v16, v20;
	v16 =	vadd.s32 v16, v21  }
0x9e: {  	vm4 =	veq.s32 v8, v5;
	vm5 =	veq.s32 v5, v7;
	v17 =	vadd.s32 v19, v15  }
.Ltmp1:
0x9f: {  	v19 =	vsel vm4, $0x1, v0;
	v15 =	vsel vm5, $0x1, v0;
	v17 =	vmul.u32 $0x3E8, v17;
	(pc) =	sbr.rel @p0 .LBB2_1-.Ltmp1, $4  }
0xa0: {  	v20 =	vsel vm2, $0x1, v0;
	v21 =	vadd.s32 v12, v16;
	v18 =	vsel vm1, $0x2, v1  }
0xa1: {  	v23 =	vsel vm3, $0x2, v1;
	vm1 =	veq.s32 v8, v7;
	v17 =	vsub.s32 v17, v9  }
0xa2: {  	v16 =	vsel vm0, $0x1, v0;
	vm0 =	veq.s32 v8, v3;
	v24 =	vmul.u32 $0x3E8, v21  }
0xa3: {  	v25 =	vadd.s32 v25, v26;
	v22 =	vsel vm0, $0x1, v0;
	v21 =	vadd.s32 v19, v23  }
.LBB2_2:
0xa4: {  	v1 =	vsel vm1, $0x1, v0  }
0xa5: {  	v19 =	vadd.s32 v19, v18;
	v24 =	vsub.s32 v24, v6;
	v23 =	vadd.s32 v20, v23  }
0xa6: {  	v44 =	vmul.u32 $0x3E8, v25;
	vm0 =	veq.s32 v4, v7;
	v46 =	vadd.s32 v22, v18  }
0xa7: {  	vm7 =	veq.s32 v3, v7;
	v21 =	vadd.s32 v22, v21;
	v12 =	vadd.s32 v12, v13  }
0xa8: {  	v19 =	vadd.s32 v20, v19;
	v23 =	vadd.s32 v16, v23;
	v45 =	vsel vm0, $0x1, v0  }
0xa9: {  	v47 =	vsel vm7, $0x1, v0;
	v50 =	vadd.s32 v1, v21;
	v12 =	vmul.u32 $0x3E8, v12  }
0xaa: {  	v54 =	vadd.s32 v16, v46;
	v19 =	vadd.s32 v15, v19;
	v20 =	vsub.s32 v44, v11  }
0xab: {  	v49 =	vadd.s32 v45, v23;
	v1 =	vadd.s32 v1, v45;
	v13 =	vmul.u32 $0x3E8, v50  }
0xac: {  	v57 =	vadd.s32 v47, v54;
	vm8 =	vgt.s32 v14, v20;
	v1 =	vadd.s32 v15, v1  }
0xad: {  	v52 =	vmul.u32 $0x3E8, v49;
	v53 =	vmul.u32 $0x3E8, v19;
	v12 =	vsub.s32 v12, v2  }
0xae: {  	v58 =	vmul.u32 $0x3E8, v57;
	v10 =	vsel vm8, v10, v11;
	v48 =	vsel vm8, v14, v20  }
0xaf: {  	v13 =	vsub.s32 v13, v8;
	v0 =	vadd.s32 v47, v1;
	vm9 =	vgt.s32 v17, v48  }
0xb0: {  	v56 =	vsub.s32 v52, v4;
	v59 =	vsub.s32 v53, v5;
	v11 =	vsel vm9, v17, v48  }
0xb1: {  	v9 =	vsel vm9, v9, v10;
	vm11 =	vgt.s32 v13, v56;
	vm10 =	vgt.s32 v24, v11  }
0xb2: {  	v0 =	vmul.u32 $0x3E8, v0;
	v55 =	vsel vm10, v6, v9;
	v9 =	vsel vm11, v13, v56  }
0xb3: {  	v12 =	vadd.s32 $0x3E8, v12;
	v1 =	vsub.s32 v58, v3;
	vm12 =	vgt.s32 v59, v9  }
0xb4: {  	v60 =	vsel vm11, v8, v4;
	v0 =	vsub.s32 v0, v7;
	v61 =	vsel vm12, v59, v9  }
0xb5: {  	v51 =	vsel vm10, v24, v11;
	v0 =	vadd.s32 $0x3E8, v0;
	vm13 =	vgt.s32 v1, v61  }
0xb6: {  	vm14 =	vgt.s32 v12, v51;
	v4 =	vsel vm12, v5, v60;
	v1 =	vsel vm13, v1, v61  }
0xb7: {  	v63 =	vsel vm14, v2, v55;
	v62 =	vsel vm13, v3, v4;
	vm15 =	vgt.s32 v0, v1  }
0xb8: {  	[tilespmem:$0x510] =	vst v63;
	v0 =	vsel vm15, v7, v62  }
0xb9: {  	[tilespmem:$0x500] =	vst v0  }
0xba: {  	[hbm4b:s21+s2] =	stream.linear.scatter [tilespmem:s22], [sflag:$0x2], $0x20, $0x38;
	[tilespmem:$0x580] =	vst v63  }
0xbb: {  	_ =	swait.ge [sflag:s3], $0x20  }
0xbc: {  	[sflag:s3] =	ssyncset.done $0x0  }
0xbd: {  	[sflag:s3] =	ssyncadd.s32 $0xFFFFFFE0  }
0xbe: {  	_ =	sfence.sel $0x180000  }
0xbf: {  	[bflag:$0x0] =	sbarrier.arrive $0xFFFF  }
0xc0: {  	p0 =	sne.s32 s0, $0x0;
	_ =	strace $0x90000047  }
0xc1: {  	s0 =	sadd.s32 @!p0 $0x100000, s1;
	[bflag:$0x2] =	sbarrier.arrive $0xFFFF  }
0xc2: {  	[sflag:s0] =	ssyncadd.tile.s32 @!p0 $0x1;
	_ =	shalt  }
.Lfunc_end2:
_tile_overlayer_lowered:
.L_overlay_start_2:
0xc3: {  	(tag) =	ssettag $0x2  }
0xc4: {  	s0 =	rddreg [dreg:$0x0];
	s2 =	stileid.u32  }
0xc5: {  	s1 =	rddreg [dreg:$0x1];
	p0 =	sne.s32 s2, $0x0  }
0xc6: {  	s3 =	rddreg [dreg:$0x2];
	[bflag:$0x3] =	sbarrier.arrive $0xFFFF;
	s2 =	simm.s32 @!p0 $0x1C02  }
0xc7: {  	[timem:s3], [sflag:s2] =	dma.local @!p0 [hbm:s0], s1  }
0xc8: {  	s0 =	simm.s32 @!p0 $0x2  }
0xc9: {  	_ =	swait.ge @!p0 [sflag:s0], s1  }
0xca: {  	s1 =	ssub.s32 @!p0 $0x0, s1;
	[sflag:s0] =	ssyncset.done @!p0 $0x0  }
0xcb: {  	[sflag:s0] =	ssyncadd.s32 @!p0 s1  }
0xcc: {  	[bflag:$0x3] =	sbarrier.arrive $0xFFFF  }
0xcd: {  	_ =	shalt  }

</sc_bundles>
